<compile_context>
chip_gen: v7x
topology: tpu7x:2x2x1
jax: 0.10.2.dev20260603
libtpu: 0.0.44.dev20260713+nightly
codegen_flags: <defaults>
</compile_context>

<pallas_src>
import functools

import jax
import jax.numpy as jnp
from jax import lax
from jax.experimental import pallas as pl
from jax.experimental.pallas import tpu as pltpu
from jax.experimental.pallas import tpu_sc as plsc

_EPS = 1e-5
_SLOPE = 0.2
_F32 = jnp.float32


def _leaky(x):
    return jnp.maximum(x, _SLOPE * x)



_RING = 4


@functools.lru_cache(maxsize=None)
def _make_sc_gather(n_idx: int, d: int):
    NC, NS = 2, 16
    NW = NC * NS
    per_w = n_idx // NW
    assert per_w * NW == n_idx and per_w % 8 == 0
    CH = 128
    nfull, tail = divmod(per_w, CH)
    nsuper, nrem = divmod(nfull, _RING)
    mesh = plsc.VectorSubcoreMesh(core_axis_name="c", subcore_axis_name="s")
    scratch = ([pltpu.VMEM((CH,), jnp.int32) for _ in range(_RING)]
               + [pltpu.VMEM((CH, d), _F32) for _ in range(_RING)]
               + [pltpu.SemaphoreType.DMA, pltpu.SemaphoreType.DMA,
                  pltpu.SemaphoreType.DMA])
    if tail:
        scratch += [pltpu.VMEM((tail,), jnp.int32), pltpu.VMEM((tail, d), _F32)]

    def body(table_hbm, idx_hbm, out_hbm, *refs):
        idxb = refs[:_RING]
        rowsb = refs[_RING:2 * _RING]
        sem_i, sem_g, sem_o = refs[2 * _RING:2 * _RING + 3]
        wid = lax.axis_index("s") * NC + lax.axis_index("c")
        base = wid * per_w

        def superstep(t, carry):
            off0 = base + t * (_RING * CH)
            ih = []
            for b in range(_RING):
                ih.append(pltpu.async_copy(
                    idx_hbm.at[pl.ds(off0 + b * CH, CH)], idxb[b], sem_i))
            gh = []
            for b in range(_RING):
                ih[b].wait()

                @pl.when(t > 0)
                def _drain(b=b):
                    pltpu.make_async_copy(
                        out_hbm.at[pl.ds(0, CH)], rowsb[b], sem_o).wait()

                gh.append(pltpu.async_copy(
                    table_hbm.at[idxb[b]], rowsb[b], sem_g))
            for b in range(_RING):
                gh[b].wait()
                pltpu.async_copy(
                    rowsb[b], out_hbm.at[pl.ds(off0 + b * CH, CH)], sem_o)
            return carry

        if nsuper:
            lax.fori_loop(0, nsuper, superstep, 0)
            for b in range(_RING):
                pltpu.make_async_copy(
                    out_hbm.at[pl.ds(0, CH)], rowsb[b], sem_o).wait()
        for r in range(nrem):
            off = base + (nsuper * _RING + r) * CH
            pltpu.sync_copy(idx_hbm.at[pl.ds(off, CH)], idxb[0])
            pltpu.async_copy(table_hbm.at[idxb[0]], rowsb[0], sem_g).wait()
            pltpu.sync_copy(rowsb[0], out_hbm.at[pl.ds(off, CH)])
        if tail:
            idx_t, rows_t = refs[2 * _RING + 3:]
            off = base + nfull * CH
            pltpu.sync_copy(idx_hbm.at[pl.ds(off, tail)], idx_t)
            pltpu.async_copy(table_hbm.at[idx_t], rows_t, sem_g).wait()
            pltpu.sync_copy(rows_t, out_hbm.at[pl.ds(off, tail)])

    return pl.kernel(
        body,
        mesh=mesh,
        out_type=jax.ShapeDtypeStruct((n_idx, d), _F32),
        scratch_types=scratch,
    )



def _p0_body(f_ref, w_ref, t_ref):
    f = f_ref[...]
    ga = jnp.dot(f, w_ref[...], preferred_element_type=_F32)
    t_ref[...] = jnp.concatenate([f, ga], axis=1)


def _build_table(feat2, wgg, blk):
    n, cin = feat2.shape
    steps = n // blk
    assert steps * blk == n
    return pl.pallas_call(
        _p0_body,
        grid=(steps,),
        in_specs=[
            pl.BlockSpec((blk, cin), lambda i: (i, 0)),
            pl.BlockSpec((cin, cin), lambda i: (0, 0)),
        ],
        out_specs=pl.BlockSpec((blk, 2 * cin), lambda i: (i, 0)),
        out_shape=jax.ShapeDtypeStruct((n, 2 * cin), _F32),
    )(feat2, wgg)



def _p1_body(raw_ref, w8_ref, b8_ref, s8_ref, ss8_ref, *, rb8):
    y = jnp.dot(raw_ref[...], w8_ref[...], preferred_element_type=_F32)
    y = y + b8_ref[...]

    @pl.when(pl.program_id(0) == 0)
    def _init():
        s8_ref[...] = jnp.zeros(s8_ref.shape, s8_ref.dtype)
        ss8_ref[...] = jnp.zeros(ss8_ref.shape, ss8_ref.dtype)

    ones8 = jnp.ones((8, rb8), _F32)
    s8_ref[...] += jnp.dot(ones8, y, preferred_element_type=_F32)
    ss8_ref[...] += jnp.dot(ones8, y * y, preferred_element_type=_F32)


def _rel_stats(raw128, w8, b8, rb8):
    nk8, lanes = raw128.shape
    c8 = w8.shape[1]
    steps = nk8 // rb8
    assert steps * rb8 == nk8
    return pl.pallas_call(
        functools.partial(_p1_body, rb8=rb8),
        grid=(steps,),
        in_specs=[
            pl.BlockSpec((rb8, lanes), lambda i: (i, 0)),
            pl.BlockSpec((lanes, c8), lambda i: (0, 0)),
            pl.BlockSpec((1, c8), lambda i: (0, 0)),
        ],
        out_specs=[
            pl.BlockSpec((8, c8), lambda i: (0, 0)),
            pl.BlockSpec((8, c8), lambda i: (0, 0)),
        ],
        out_shape=[
            jax.ShapeDtypeStruct((8, c8), _F32),
            jax.ShapeDtypeStruct((8, c8), _F32),
        ],
    )(raw128, w8, b8)



def _p2_body(g_ref, raw_ref, f_ref, srel_ref, m2rel_ref,
             wrel_ref, brel_ref, grel_ref, berel_ref,
             wrg_ref, wgr_ref, wrr_ref,
             wog_ref, wor_ref, bo_ref, wsc_ref, bsc_ref,
             out_ref, sc_ref, so_ref, sso_ref, ssc_ref, sssc_ref,
             *, blk, k, m_rel, cin):
    inv_m = 1.0 / m_rel
    crel = wrr_ref.shape[0]
    s256 = srel_ref[0:1, :]
    ss256 = m2rel_ref[0:1, :]
    nfold = srel_ref.shape[1]
    fold = (lax.broadcasted_iota(jnp.int32, (nfold, crel), 0) % crel
            == lax.broadcasted_iota(jnp.int32, (nfold, crel), 1)
            ).astype(_F32)
    s32 = jnp.dot(s256, fold, preferred_element_type=_F32)
    ss32 = jnp.dot(ss256, fold, preferred_element_type=_F32)
    mean = s32 * inv_m
    var = ss32 * inv_m - mean * mean
    scale = lax.rsqrt(var + _EPS) * grel_ref[...]
    shift = berel_ref[...] - mean * scale

    rl = jnp.dot(raw_ref[...], wrel_ref[...], preferred_element_type=_F32)
    rl = rl + brel_ref[...]
    rel = _leaky(rl * scale + shift)
    x = g_ref[...]
    g = x[:, :cin]
    ga = x[:, cin:]

    lg = ga + jnp.dot(rel, wrg_ref[...], preferred_element_type=_F32)
    lr = (jnp.dot(g, wgr_ref[...], preferred_element_type=_F32)
          + jnp.dot(rel, wrr_ref[...], preferred_element_type=_F32))
    eg = jnp.exp(lg)
    er = jnp.exp(lr)

    cg = g.shape[1]
    cr = rel.shape[1]
    g3 = g.reshape(blk // 8, k, 8, cg)
    r3 = rel.reshape(blk // 8, k, 8, cr)
    eg3 = eg.reshape(blk // 8, k, 8, cg)
    er3 = er.reshape(blk // 8, k, 8, cr)
    pg = (jnp.sum(eg3 * g3, axis=1) / jnp.sum(eg3, axis=1)).reshape(blk, cg)
    pr = (jnp.sum(er3 * r3, axis=1) / jnp.sum(er3, axis=1)).reshape(blk, cr)

    out_lin = (jnp.dot(pg, wog_ref[...], preferred_element_type=_F32)
               + jnp.dot(pr, wor_ref[...], preferred_element_type=_F32)
               + bo_ref[...])
    sc_lin = jnp.dot(f_ref[...], wsc_ref[...], preferred_element_type=_F32)
    sc_lin = sc_lin + bsc_ref[...]

    out_ref[...] = out_lin
    sc_ref[...] = sc_lin

    @pl.when(pl.program_id(0) == 0)
    def _init():
        for r in (so_ref, sso_ref, ssc_ref, sssc_ref):
            r[...] = jnp.zeros(r.shape, r.dtype)

    so_ref[...] += jnp.sum(out_lin, axis=0, keepdims=True)
    sso_ref[...] += jnp.sum(out_lin * out_lin, axis=0, keepdims=True)
    ssc_ref[...] += jnp.sum(sc_lin, axis=0, keepdims=True)
    sssc_ref[...] += jnp.sum(sc_lin * sc_lin, axis=0, keepdims=True)


def _main_pass(gathered, raw2, feat2, s_rel, ss_rel,
               W_rel, b_rel2, g_rel2, be_rel2,
               wrg, wgr, wrr, wog, wor, b_out2, W_sc, b_sc2, blk):
    n, cin = feat2.shape
    nk, ori = raw2.shape
    k = nk // n
    crel = W_rel.shape[1]
    cout = wog.shape[1]
    steps = n // blk
    assert steps * blk == n
    blkk = blk * k
    body = functools.partial(_p2_body, blk=blk, k=k, m_rel=float(nk), cin=cin)
    full = lambda a: pl.BlockSpec(a.shape, lambda i: (0,) * a.ndim)
    return pl.pallas_call(
        body,
        grid=(steps,),
        in_specs=[
            pl.BlockSpec((blkk, 2 * cin), lambda i: (i, 0)),
            pl.BlockSpec((blkk, ori), lambda i: (i, 0)),
            pl.BlockSpec((blk, cin), lambda i: (i, 0)),
            full(s_rel), full(ss_rel),
            full(W_rel), full(b_rel2), full(g_rel2), full(be_rel2),
            full(wrg), full(wgr), full(wrr),
            full(wog), full(wor), full(b_out2), full(W_sc), full(b_sc2),
        ],
        out_specs=[
            pl.BlockSpec((blk, cout), lambda i: (i, 0)),
            pl.BlockSpec((blk, cout), lambda i: (i, 0)),
            pl.BlockSpec((1, cout), lambda i: (0, 0)),
            pl.BlockSpec((1, cout), lambda i: (0, 0)),
            pl.BlockSpec((1, cout), lambda i: (0, 0)),
            pl.BlockSpec((1, cout), lambda i: (0, 0)),
        ],
        out_shape=[
            jax.ShapeDtypeStruct((n, cout), _F32),
            jax.ShapeDtypeStruct((n, cout), _F32),
            jax.ShapeDtypeStruct((1, cout), _F32),
            jax.ShapeDtypeStruct((1, cout), _F32),
            jax.ShapeDtypeStruct((1, cout), _F32),
            jax.ShapeDtypeStruct((1, cout), _F32),
        ],
    )(gathered, raw2, feat2, s_rel, ss_rel,
      W_rel, b_rel2, g_rel2, be_rel2,
      wrg, wgr, wrr, wog, wor, b_out2, W_sc, b_sc2)



def _p3_body(o_ref, s_ref, so_ref, sso_ref, ssc_ref, sssc_ref,
             go_ref, beo_ref, gs_ref, bes_ref, y_ref, *, n):
    inv_n = 1.0 / n
    mo = so_ref[...] * inv_n
    vo = sso_ref[...] * inv_n - mo * mo
    ao = lax.rsqrt(vo + _EPS) * go_ref[...]
    ms = ssc_ref[...] * inv_n
    vs = sssc_ref[...] * inv_n - ms * ms
    as_ = lax.rsqrt(vs + _EPS) * gs_ref[...]
    y = ((o_ref[...] - mo) * ao + beo_ref[...]
         + (s_ref[...] - ms) * as_ + bes_ref[...])
    y_ref[...] = _leaky(y)


def _finalize(out_lin, sc_lin, so, sso, ssc, sssc,
              g_out2, be_out2, g_sc2, be_sc2, blk):
    n, cout = out_lin.shape
    steps = n // blk
    assert steps * blk == n
    body = functools.partial(_p3_body, n=float(n))
    full = lambda a: pl.BlockSpec(a.shape, lambda i: (0,) * a.ndim)
    return pl.pallas_call(
        body,
        grid=(steps,),
        in_specs=[
            pl.BlockSpec((blk, cout), lambda i: (i, 0)),
            pl.BlockSpec((blk, cout), lambda i: (i, 0)),
            full(so), full(sso), full(ssc), full(sssc),
            full(g_out2), full(be_out2), full(g_sc2), full(be_sc2),
        ],
        out_specs=pl.BlockSpec((blk, cout), lambda i: (i, 0)),
        out_shape=jax.ShapeDtypeStruct((n, cout), _F32),
    )(out_lin, sc_lin, so, sso, ssc, sssc,
      g_out2, be_out2, g_sc2, be_sc2)



def kernel(xyz, feature, raw_relative_feature, neighbors_idx,
           W_rel, b_rel, g_rel, be_rel, W_attn,
           W_out, b_out, g_out, be_out, W_sc, b_sc, g_sc, be_sc):
    bsz, n, cin = feature.shape
    k = neighbors_idx.shape[-1]
    ori = raw_relative_feature.shape[-1]
    cout = W_out.shape[1]

    feat2 = feature.reshape(n, cin)
    idx_flat = (neighbors_idx.reshape(n // 8, 8, k)
                .swapaxes(1, 2).reshape(n * k))
    raw2 = (raw_relative_feature.reshape(n // 8, 8, k, ori)
            .swapaxes(1, 2).reshape(n * k, ori))

    b_rel2 = b_rel.reshape(1, -1)
    g_rel2 = g_rel.reshape(1, -1)
    be_rel2 = be_rel.reshape(1, -1)
    b_out2 = b_out.reshape(1, -1)
    g_out2 = g_out.reshape(1, -1)
    be_out2 = be_out.reshape(1, -1)
    b_sc2 = b_sc.reshape(1, -1)
    g_sc2 = g_sc.reshape(1, -1)
    be_sc2 = be_sc.reshape(1, -1)
    wgg = W_attn[:cin, :cin]
    wrg = W_attn[cin:, :cin]
    wgr = W_attn[:cin, cin:]
    wrr = W_attn[cin:, cin:]
    wog = W_out[:cin]
    wor = W_out[cin:]

    table = _build_table(feat2, wgg, blk=5000)
    gathered = _make_sc_gather(n * k, 2 * cin)(table, idx_flat)

    raw128 = raw2.reshape(n * k // 8, 8 * ori)
    w8 = jnp.kron(jnp.eye(8, dtype=_F32), W_rel)
    b8 = jnp.tile(b_rel2, (1, 8))
    s_rel, ss_rel = _rel_stats(raw128, w8, b8, rb8=4000)
    out_lin, sc_lin, so, sso, ssc, sssc = _main_pass(
        gathered, raw2, feat2, s_rel, ss_rel,
        W_rel, b_rel2, g_rel2, be_rel2,
        wrg, wgr, wrr, wog, wor, b_out2, W_sc, b_sc2, blk=400)
    y = _finalize(out_lin, sc_lin, so, sso, ssc, sssc,
                  g_out2, be_out2, g_sc2, be_sc2, blk=5000)
    return (xyz, y.reshape(bsz, n, cout), raw_relative_feature, neighbors_idx)

# --- scband reference (transcript-rebuilt; emitter-appended) ---
"""Pipeline reference for scband-lfa-54846732370506 (READ-ONLY COPY).

The authoritative reference and input builder live on the scoring server;
editing this copy changes nothing except your own understanding.
"""

import jax, jax.numpy as jnp
import numpy as np

B, N, K = 1, 50000, 16
C_IN, C_REL, C_OUT = 64, 32, 64
ORI_REL = 16  # 6 + 6 + 4 for anchor_points == 4
C_CAT = C_IN + C_REL


def _bn(x, gamma, beta, eps=1e-5):
    # BatchNorm1d in training mode: stats over all dims except the channel (last) dim
    axes = tuple(range(x.ndim - 1))
    mean = x.mean(axis=axes, keepdims=True)
    var = x.var(axis=axes, keepdims=True)
    return (x - mean) / jnp.sqrt(var + eps) * gamma + beta


def setup_inputs(seed: int = 0):
    key = jax.random.key(seed)
    ks = jax.random.split(key, 12)
    xyz = jax.random.normal(ks[0], (B, N, 3), dtype=jnp.float32)
    feature = jax.random.normal(ks[1], (B, N, C_IN), dtype=jnp.float32)
    raw_relative_feature = jax.random.normal(ks[2], (B, N, K, ORI_REL), dtype=jnp.float32)
    neighbors_idx = jax.random.randint(ks[3], (B, N, K), 0, N, dtype=jnp.int32)
    s_rel = 1.0 / np.sqrt(ORI_REL)
    s_cat = 1.0 / np.sqrt(C_CAT)
    s_in = 1.0 / np.sqrt(C_IN)
    params = dict(
        W_rel=jax.random.normal(ks[4], (ORI_REL, C_REL), dtype=jnp.float32) * s_rel,
        b_rel=jnp.zeros((C_REL,), dtype=jnp.float32),
        g_rel=jnp.ones((C_REL,), dtype=jnp.float32),
        be_rel=jnp.zeros((C_REL,), dtype=jnp.float32),
        W_attn=jax.random.normal(ks[5], (C_CAT, C_CAT), dtype=jnp.float32) * s_cat,
        W_out=jax.random.normal(ks[6], (C_CAT, C_OUT), dtype=jnp.float32) * s_cat,
        b_out=jnp.zeros((C_OUT,), dtype=jnp.float32),
        g_out=jnp.ones((C_OUT,), dtype=jnp.float32),
        be_out=jnp.zeros((C_OUT,), dtype=jnp.float32),
        W_sc=jax.random.normal(ks[7], (C_IN, C_OUT), dtype=jnp.float32) * s_in,
        b_sc=jnp.zeros((C_OUT,), dtype=jnp.float32),
        g_sc=jnp.ones((C_OUT,), dtype=jnp.float32),
        be_sc=jnp.zeros((C_OUT,), dtype=jnp.float32),
    )
    return dict(xyz=xyz, feature=feature, raw_relative_feature=raw_relative_feature,
                neighbors_idx=neighbors_idx, **params)


def reference(xyz, feature, raw_relative_feature, neighbors_idx,
              W_rel, b_rel, g_rel, be_rel, W_attn,
              W_out, b_out, g_out, be_out, W_sc, b_sc, g_sc, be_sc):
    # raw_relative_feature / neighbors_idx are provided, so the cdist branch is skipped.
    ori_feature = feature
    # index_points: gather neighbor features -> (B, N, K, C_IN)
    gathered = jax.vmap(lambda f, idx: f[idx])(feature, neighbors_idx)
    # mlp_relative_fea: Linear + BN1d + leaky_relu(0.2) on (B, N*K, ORI_REL)
    rel = raw_relative_feature.reshape(B, N * K, ORI_REL)
    rel = jax.nn.leaky_relu(_bn(rel @ W_rel + b_rel, g_rel, be_rel), 0.2)
    rel = rel.reshape(B, N, K, C_REL)
    feat = jnp.concatenate([gathered, rel], axis=3)  # (B, N, K, C_CAT)
    # attn_pooling
    attn = jax.nn.softmax(feat @ W_attn, axis=2)
    pooled = jnp.sum(attn * feat, axis=2)  # (B, N, C_CAT)
    # mlp_out / mlp_shortcut: Linear + BN1d, no activation
    out = _bn(pooled @ W_out + b_out, g_out, be_out)
    sc = _bn(ori_feature @ W_sc + b_sc, g_sc, be_sc)
    feature_out = jax.nn.leaky_relu(sc + out, 0.2)
    return (xyz, feature_out, raw_relative_feature, neighbors_idx)

if __name__ == "__main__":
    import jax
    _d = setup_inputs()
    print(jax.jit(kernel)(*tuple(_d.values())))

</pallas_src>

<mosaic_0001>
#map = affine_map<(d0, d1) -> (0, 0)>
#map1 = affine_map<(d0, d1) -> (0)>
module attributes {stable_mosaic.version = 14 : i64} {
  func.func @body(%arg0: i32, %arg1: i32, %arg2: memref<50000x128xf32, #tpu.memory_space<hbm>>, %arg3: memref<800000xi32, #tpu.memory_space<hbm>>, %arg4: memref<800000x128xf32, #tpu.memory_space<hbm>>, %arg5: memref<128xi32, #tpu.memory_space<vmem>>, %arg6: memref<128xi32, #tpu.memory_space<vmem>>, %arg7: memref<128xi32, #tpu.memory_space<vmem>>, %arg8: memref<128xi32, #tpu.memory_space<vmem>>, %arg9: memref<128x128xf32, #tpu.memory_space<vmem>>, %arg10: memref<128x128xf32, #tpu.memory_space<vmem>>, %arg11: memref<128x128xf32, #tpu.memory_space<vmem>>, %arg12: memref<128x128xf32, #tpu.memory_space<vmem>>, %arg13: memref<!tpu.dma_semaphore, #tpu.memory_space<semaphore_mem>>, %arg14: memref<!tpu.dma_semaphore, #tpu.memory_space<semaphore_mem>>, %arg15: memref<!tpu.dma_semaphore, #tpu.memory_space<semaphore_mem>>, %arg16: memref<40xi32, #tpu.memory_space<vmem>>, %arg17: memref<40x128xf32, #tpu.memory_space<vmem>>) attributes {dimension_semantics = [#tpu.dimension_semantics<core_parallel>, #tpu.dimension_semantics<subcore_parallel>], iteration_bounds = array<i64: 2, 16>, scalar_prefetch = 0 : i64, scratch_operands = 13 : i64, tpu.core_type = #tpu.core_type<sc_vector_subcore>, window_params = [{transform_indices = #map}, {transform_indices = #map1}, {transform_indices = #map}]} {
    %mul3A = arith.constant 2 : i32
    %mul3A_0 = arith.muli %arg1, %mul3A : i32
    %add3A = arith.addi %mul3A_0, %arg0 : i32
    %mul3A_1 = arith.constant 25000 : i32
    %mul3A_2 = arith.muli %add3A, %mul3A_1 : i32
    %scan3A = arith.constant 0 : i32
    %scan3A_3 = arith.constant 0 : i32
    %scan3A_4 = arith.constant 48 : i32
    %scan3A_5 = arith.addi %scan3A_3, %scan3A_4 : i32
    %scan3A_6 = arith.constant 1 : i32
    scf.for %scan3A_62 = %scan3A_3 to %scan3A_5 step %scan3A_6  : i32 {
      %mul3A_63 = arith.constant 512 : i32
      %mul3A_64 = arith.muli %scan3A_62, %mul3A_63 : i32
      %add3A_65 = arith.addi %mul3A_2, %mul3A_64 : i32
      %add3A_66 = arith.constant 0 : i32
      %add3A_67 = arith.addi %add3A_65, %add3A_66 : i32
      %dma_start3A_68 = tpu.memref_slice %arg3[%add3A_67] : memref<800000xi32, #tpu.memory_space<hbm>> -> memref<128xi32, #tpu.memory_space<hbm>>
      %dma_start3A_69 = tpu.memref_slice %arg3[%add3A_67] : memref<800000xi32, #tpu.memory_space<hbm>> -> memref<128xi32, #tpu.memory_space<hbm>>
      tpu.enqueue_dma source(%dma_start3A_69 : memref<128xi32, #tpu.memory_space<hbm>>) target(%arg5 : memref<128xi32, #tpu.memory_space<vmem>>) target_semaphore(%arg13 : memref<!tpu.dma_semaphore, #tpu.memory_space<semaphore_mem>>)
      %add3A_70 = arith.constant 128 : i32
      %add3A_71 = arith.addi %add3A_65, %add3A_70 : i32
      %dma_start3A_72 = tpu.memref_slice %arg3[%add3A_71] : memref<800000xi32, #tpu.memory_space<hbm>> -> memref<128xi32, #tpu.memory_space<hbm>>
      %dma_start3A_73 = tpu.memref_slice %arg3[%add3A_71] : memref<800000xi32, #tpu.memory_space<hbm>> -> memref<128xi32, #tpu.memory_space<hbm>>
      tpu.enqueue_dma source(%dma_start3A_73 : memref<128xi32, #tpu.memory_space<hbm>>) target(%arg6 : memref<128xi32, #tpu.memory_space<vmem>>) target_semaphore(%arg13 : memref<!tpu.dma_semaphore, #tpu.memory_space<semaphore_mem>>)
      %add3A_74 = arith.constant 256 : i32
      %add3A_75 = arith.addi %add3A_65, %add3A_74 : i32
      %dma_start3A_76 = tpu.memref_slice %arg3[%add3A_75] : memref<800000xi32, #tpu.memory_space<hbm>> -> memref<128xi32, #tpu.memory_space<hbm>>
      %dma_start3A_77 = tpu.memref_slice %arg3[%add3A_75] : memref<800000xi32, #tpu.memory_space<hbm>> -> memref<128xi32, #tpu.memory_space<hbm>>
      tpu.enqueue_dma source(%dma_start3A_77 : memref<128xi32, #tpu.memory_space<hbm>>) target(%arg7 : memref<128xi32, #tpu.memory_space<vmem>>) target_semaphore(%arg13 : memref<!tpu.dma_semaphore, #tpu.memory_space<semaphore_mem>>)
      %add3A_78 = arith.constant 384 : i32
      %add3A_79 = arith.addi %add3A_65, %add3A_78 : i32
      %dma_start3A_80 = tpu.memref_slice %arg3[%add3A_79] : memref<800000xi32, #tpu.memory_space<hbm>> -> memref<128xi32, #tpu.memory_space<hbm>>
      %dma_start3A_81 = tpu.memref_slice %arg3[%add3A_79] : memref<800000xi32, #tpu.memory_space<hbm>> -> memref<128xi32, #tpu.memory_space<hbm>>
      tpu.enqueue_dma source(%dma_start3A_81 : memref<128xi32, #tpu.memory_space<hbm>>) target(%arg8 : memref<128xi32, #tpu.memory_space<vmem>>) target_semaphore(%arg13 : memref<!tpu.dma_semaphore, #tpu.memory_space<semaphore_mem>>)
      %dma_wait3A_82 = tpu.memref_slice %arg3[%add3A_67] : memref<800000xi32, #tpu.memory_space<hbm>> -> memref<128xi32, #tpu.memory_space<hbm>>
      %dma_wait3A_83 = tpu.memref_slice %arg3[%add3A_67] : memref<800000xi32, #tpu.memory_space<hbm>> -> memref<128xi32, #tpu.memory_space<hbm>>
      tpu.wait_dma2 semaphore(%arg13 : memref<!tpu.dma_semaphore, #tpu.memory_space<semaphore_mem>>) src(%dma_wait3A_83 : memref<128xi32, #tpu.memory_space<hbm>>) dst(%arg5 : memref<128xi32, #tpu.memory_space<vmem>>)
      %gt3A = arith.constant 0 : i32
      %gt3A_84 = arith.cmpi sgt, %scan3A_62, %gt3A : i32
      %convert_element_type3A = arith.extui %gt3A_84 : i1 to i32
      %cond3A = arith.constant 0 : i32
      %cond3A_85 = arith.cmpi ne, %convert_element_type3A, %cond3A : i32
      scf.if %cond3A_85 {
        %dma_wait3A_155 = arith.constant 0 : i32
        %dma_wait3A_156 = arith.constant 0 : i32
        %dma_wait3A_157 = tpu.memref_slice %arg4[%dma_wait3A_155, %dma_wait3A_156] : memref<800000x128xf32, #tpu.memory_space<hbm>> -> memref<128x128xf32, #tpu.memory_space<hbm>>
        %dma_wait3A_158 = arith.constant 0 : i32
        %dma_wait3A_159 = arith.constant 0 : i32
        %dma_wait3A_160 = tpu.memref_slice %arg4[%dma_wait3A_158, %dma_wait3A_159] : memref<800000x128xf32, #tpu.memory_space<hbm>> -> memref<128x128xf32, #tpu.memory_space<hbm>>
        tpu.wait_dma2 semaphore(%arg15 : memref<!tpu.dma_semaphore, #tpu.memory_space<semaphore_mem>>) src(%dma_wait3A_160 : memref<128x128xf32, #tpu.memory_space<hbm>>) dst(%arg9 : memref<128x128xf32, #tpu.memory_space<vmem>>)
      } else {
      }
      %dma_start3A_86 = arith.constant 0 : i32
      %dma_start3A_87 = arith.constant 0 : i32
      %dma_start3A_88 = tpu.memref_slice %arg2[%dma_start3A_86, %dma_start3A_87] : memref<50000x128xf32, #tpu.memory_space<hbm>> -> memref<50000x128xf32, #tpu.memory_space<hbm>>
      tpu.enqueue_indirect_dma source(%dma_start3A_88 : memref<50000x128xf32, #tpu.memory_space<hbm>>) target(%arg9 : memref<128x128xf32, #tpu.memory_space<vmem>>) offsets(%arg5 : memref<128xi32, #tpu.memory_space<vmem>>) semaphore(%arg14 : memref<!tpu.dma_semaphore, #tpu.memory_space<semaphore_mem>>)
      %dma_wait3A_89 = tpu.memref_slice %arg3[%add3A_71] : memref<800000xi32, #tpu.memory_space<hbm>> -> memref<128xi32, #tpu.memory_space<hbm>>
      %dma_wait3A_90 = tpu.memref_slice %arg3[%add3A_71] : memref<800000xi32, #tpu.memory_space<hbm>> -> memref<128xi32, #tpu.memory_space<hbm>>
      tpu.wait_dma2 semaphore(%arg13 : memref<!tpu.dma_semaphore, #tpu.memory_space<semaphore_mem>>) src(%dma_wait3A_90 : memref<128xi32, #tpu.memory_space<hbm>>) dst(%arg6 : memref<128xi32, #tpu.memory_space<vmem>>)
      %gt3A_91 = arith.constant 0 : i32
      %gt3A_92 = arith.cmpi sgt, %scan3A_62, %gt3A_91 : i32
      %convert_element_type3A_93 = arith.extui %gt3A_92 : i1 to i32
      %cond3A_94 = arith.constant 0 : i32
      %cond3A_95 = arith.cmpi ne, %convert_element_type3A_93, %cond3A_94 : i32
      scf.if %cond3A_95 {
        %dma_wait3A_155 = arith.constant 0 : i32
        %dma_wait3A_156 = arith.constant 0 : i32
        %dma_wait3A_157 = tpu.memref_slice %arg4[%dma_wait3A_155, %dma_wait3A_156] : memref<800000x128xf32, #tpu.memory_space<hbm>> -> memref<128x128xf32, #tpu.memory_space<hbm>>
        %dma_wait3A_158 = arith.constant 0 : i32
        %dma_wait3A_159 = arith.constant 0 : i32
        %dma_wait3A_160 = tpu.memref_slice %arg4[%dma_wait3A_158, %dma_wait3A_159] : memref<800000x128xf32, #tpu.memory_space<hbm>> -> memref<128x128xf32, #tpu.memory_space<hbm>>
        tpu.wait_dma2 semaphore(%arg15 : memref<!tpu.dma_semaphore, #tpu.memory_space<semaphore_mem>>) src(%dma_wait3A_160 : memref<128x128xf32, #tpu.memory_space<hbm>>) dst(%arg10 : memref<128x128xf32, #tpu.memory_space<vmem>>)
      } else {
      }
      %dma_start3A_96 = arith.constant 0 : i32
      %dma_start3A_97 = arith.constant 0 : i32
      %dma_start3A_98 = tpu.memref_slice %arg2[%dma_start3A_96, %dma_start3A_97] : memref<50000x128xf32, #tpu.memory_space<hbm>> -> memref<50000x128xf32, #tpu.memory_space<hbm>>
      tpu.enqueue_indirect_dma source(%dma_start3A_98 : memref<50000x128xf32, #tpu.memory_space<hbm>>) target(%arg10 : memref<128x128xf32, #tpu.memory_space<vmem>>) offsets(%arg6 : memref<128xi32, #tpu.memory_space<vmem>>) semaphore(%arg14 : memref<!tpu.dma_semaphore, #tpu.memory_space<semaphore_mem>>)
      %dma_wait3A_99 = tpu.memref_slice %arg3[%add3A_75] : memref<800000xi32, #tpu.memory_space<hbm>> -> memref<128xi32, #tpu.memory_space<hbm>>
      %dma_wait3A_100 = tpu.memref_slice %arg3[%add3A_75] : memref<800000xi32, #tpu.memory_space<hbm>> -> memref<128xi32, #tpu.memory_space<hbm>>
      tpu.wait_dma2 semaphore(%arg13 : memref<!tpu.dma_semaphore, #tpu.memory_space<semaphore_mem>>) src(%dma_wait3A_100 : memref<128xi32, #tpu.memory_space<hbm>>) dst(%arg7 : memref<128xi32, #tpu.memory_space<vmem>>)
      %gt3A_101 = arith.constant 0 : i32
      %gt3A_102 = arith.cmpi sgt, %scan3A_62, %gt3A_101 : i32
      %convert_element_type3A_103 = arith.extui %gt3A_102 : i1 to i32
      %cond3A_104 = arith.constant 0 : i32
      %cond3A_105 = arith.cmpi ne, %convert_element_type3A_103, %cond3A_104 : i32
      scf.if %cond3A_105 {
        %dma_wait3A_155 = arith.constant 0 : i32
        %dma_wait3A_156 = arith.constant 0 : i32
        %dma_wait3A_157 = tpu.memref_slice %arg4[%dma_wait3A_155, %dma_wait3A_156] : memref<800000x128xf32, #tpu.memory_space<hbm>> -> memref<128x128xf32, #tpu.memory_space<hbm>>
        %dma_wait3A_158 = arith.constant 0 : i32
        %dma_wait3A_159 = arith.constant 0 : i32
        %dma_wait3A_160 = tpu.memref_slice %arg4[%dma_wait3A_158, %dma_wait3A_159] : memref<800000x128xf32, #tpu.memory_space<hbm>> -> memref<128x128xf32, #tpu.memory_space<hbm>>
        tpu.wait_dma2 semaphore(%arg15 : memref<!tpu.dma_semaphore, #tpu.memory_space<semaphore_mem>>) src(%dma_wait3A_160 : memref<128x128xf32, #tpu.memory_space<hbm>>) dst(%arg11 : memref<128x128xf32, #tpu.memory_space<vmem>>)
      } else {
      }
      %dma_start3A_106 = arith.constant 0 : i32
      %dma_start3A_107 = arith.constant 0 : i32
      %dma_start3A_108 = tpu.memref_slice %arg2[%dma_start3A_106, %dma_start3A_107] : memref<50000x128xf32, #tpu.memory_space<hbm>> -> memref<50000x128xf32, #tpu.memory_space<hbm>>
      tpu.enqueue_indirect_dma source(%dma_start3A_108 : memref<50000x128xf32, #tpu.memory_space<hbm>>) target(%arg11 : memref<128x128xf32, #tpu.memory_space<vmem>>) offsets(%arg7 : memref<128xi32, #tpu.memory_space<vmem>>) semaphore(%arg14 : memref<!tpu.dma_semaphore, #tpu.memory_space<semaphore_mem>>)
      %dma_wait3A_109 = tpu.memref_slice %arg3[%add3A_79] : memref<800000xi32, #tpu.memory_space<hbm>> -> memref<128xi32, #tpu.memory_space<hbm>>
      %dma_wait3A_110 = tpu.memref_slice %arg3[%add3A_79] : memref<800000xi32, #tpu.memory_space<hbm>> -> memref<128xi32, #tpu.memory_space<hbm>>
      tpu.wait_dma2 semaphore(%arg13 : memref<!tpu.dma_semaphore, #tpu.memory_space<semaphore_mem>>) src(%dma_wait3A_110 : memref<128xi32, #tpu.memory_space<hbm>>) dst(%arg8 : memref<128xi32, #tpu.memory_space<vmem>>)
      %gt3A_111 = arith.constant 0 : i32
      %gt3A_112 = arith.cmpi sgt, %scan3A_62, %gt3A_111 : i32
      %convert_element_type3A_113 = arith.extui %gt3A_112 : i1 to i32
      %cond3A_114 = arith.constant 0 : i32
      %cond3A_115 = arith.cmpi ne, %convert_element_type3A_113, %cond3A_114 : i32
      scf.if %cond3A_115 {
        %dma_wait3A_155 = arith.constant 0 : i32
        %dma_wait3A_156 = arith.constant 0 : i32
        %dma_wait3A_157 = tpu.memref_slice %arg4[%dma_wait3A_155, %dma_wait3A_156] : memref<800000x128xf32, #tpu.memory_space<hbm>> -> memref<128x128xf32, #tpu.memory_space<hbm>>
        %dma_wait3A_158 = arith.constant 0 : i32
        %dma_wait3A_159 = arith.constant 0 : i32
        %dma_wait3A_160 = tpu.memref_slice %arg4[%dma_wait3A_158, %dma_wait3A_159] : memref<800000x128xf32, #tpu.memory_space<hbm>> -> memref<128x128xf32, #tpu.memory_space<hbm>>
        tpu.wait_dma2 semaphore(%arg15 : memref<!tpu.dma_semaphore, #tpu.memory_space<semaphore_mem>>) src(%dma_wait3A_160 : memref<128x128xf32, #tpu.memory_space<hbm>>) dst(%arg12 : memref<128x128xf32, #tpu.memory_space<vmem>>)
      } else {
      }
      %dma_start3A_116 = arith.constant 0 : i32
      %dma_start3A_117 = arith.constant 0 : i32
      %dma_start3A_118 = tpu.memref_slice %arg2[%dma_start3A_116, %dma_start3A_117] : memref<50000x128xf32, #tpu.memory_space<hbm>> -> memref<50000x128xf32, #tpu.memory_space<hbm>>
      tpu.enqueue_indirect_dma source(%dma_start3A_118 : memref<50000x128xf32, #tpu.memory_space<hbm>>) target(%arg12 : memref<128x128xf32, #tpu.memory_space<vmem>>) offsets(%arg8 : memref<128xi32, #tpu.memory_space<vmem>>) semaphore(%arg14 : memref<!tpu.dma_semaphore, #tpu.memory_space<semaphore_mem>>)
      %dma_wait3A_119 = arith.constant 0 : i32
      %dma_wait3A_120 = arith.constant 0 : i32
      %dma_wait3A_121 = tpu.memref_slice %arg2[%dma_wait3A_119, %dma_wait3A_120] : memref<50000x128xf32, #tpu.memory_space<hbm>> -> memref<50000x128xf32, #tpu.memory_space<hbm>>
      tpu.wait_indirect_dma semaphore(%arg14 : memref<!tpu.dma_semaphore, #tpu.memory_space<semaphore_mem>>) src(%dma_wait3A_121 : memref<50000x128xf32, #tpu.memory_space<hbm>>) dst(%arg9 : memref<128x128xf32, #tpu.memory_space<vmem>>)
      %add3A_122 = arith.constant 0 : i32
      %add3A_123 = arith.addi %add3A_65, %add3A_122 : i32
      %dma_start3A_124 = arith.constant 0 : i32
      %dma_start3A_125 = tpu.memref_slice %arg4[%add3A_123, %dma_start3A_124] : memref<800000x128xf32, #tpu.memory_space<hbm>> -> memref<128x128xf32, #tpu.memory_space<hbm>>
      %dma_start3A_126 = arith.constant 0 : i32
      %dma_start3A_127 = tpu.memref_slice %arg4[%add3A_123, %dma_start3A_126] : memref<800000x128xf32, #tpu.memory_space<hbm>> -> memref<128x128xf32, #tpu.memory_space<hbm>>
      tpu.enqueue_dma source(%arg9 : memref<128x128xf32, #tpu.memory_space<vmem>>) target(%dma_start3A_127 : memref<128x128xf32, #tpu.memory_space<hbm>>) target_semaphore(%arg15 : memref<!tpu.dma_semaphore, #tpu.memory_space<semaphore_mem>>)
      %dma_wait3A_128 = arith.constant 0 : i32
      %dma_wait3A_129 = arith.constant 0 : i32
      %dma_wait3A_130 = tpu.memref_slice %arg2[%dma_wait3A_128, %dma_wait3A_129] : memref<50000x128xf32, #tpu.memory_space<hbm>> -> memref<50000x128xf32, #tpu.memory_space<hbm>>
      tpu.wait_indirect_dma semaphore(%arg14 : memref<!tpu.dma_semaphore, #tpu.memory_space<semaphore_mem>>) src(%dma_wait3A_130 : memref<50000x128xf32, #tpu.memory_space<hbm>>) dst(%arg10 : memref<128x128xf32, #tpu.memory_space<vmem>>)
      %add3A_131 = arith.constant 128 : i32
      %add3A_132 = arith.addi %add3A_65, %add3A_131 : i32
      %dma_start3A_133 = arith.constant 0 : i32
      %dma_start3A_134 = tpu.memref_slice %arg4[%add3A_132, %dma_start3A_133] : memref<800000x128xf32, #tpu.memory_space<hbm>> -> memref<128x128xf32, #tpu.memory_space<hbm>>
      %dma_start3A_135 = arith.constant 0 : i32
      %dma_start3A_136 = tpu.memref_slice %arg4[%add3A_132, %dma_start3A_135] : memref<800000x128xf32, #tpu.memory_space<hbm>> -> memref<128x128xf32, #tpu.memory_space<hbm>>
      tpu.enqueue_dma source(%arg10 : memref<128x128xf32, #tpu.memory_space<vmem>>) target(%dma_start3A_136 : memref<128x128xf32, #tpu.memory_space<hbm>>) target_semaphore(%arg15 : memref<!tpu.dma_semaphore, #tpu.memory_space<semaphore_mem>>)
      %dma_wait3A_137 = arith.constant 0 : i32
      %dma_wait3A_138 = arith.constant 0 : i32
      %dma_wait3A_139 = tpu.memref_slice %arg2[%dma_wait3A_137, %dma_wait3A_138] : memref<50000x128xf32, #tpu.memory_space<hbm>> -> memref<50000x128xf32, #tpu.memory_space<hbm>>
      tpu.wait_indirect_dma semaphore(%arg14 : memref<!tpu.dma_semaphore, #tpu.memory_space<semaphore_mem>>) src(%dma_wait3A_139 : memref<50000x128xf32, #tpu.memory_space<hbm>>) dst(%arg11 : memref<128x128xf32, #tpu.memory_space<vmem>>)
      %add3A_140 = arith.constant 256 : i32
      %add3A_141 = arith.addi %add3A_65, %add3A_140 : i32
      %dma_start3A_142 = arith.constant 0 : i32
      %dma_start3A_143 = tpu.memref_slice %arg4[%add3A_141, %dma_start3A_142] : memref<800000x128xf32, #tpu.memory_space<hbm>> -> memref<128x128xf32, #tpu.memory_space<hbm>>
      %dma_start3A_144 = arith.constant 0 : i32
      %dma_start3A_145 = tpu.memref_slice %arg4[%add3A_141, %dma_start3A_144] : memref<800000x128xf32, #tpu.memory_space<hbm>> -> memref<128x128xf32, #tpu.memory_space<hbm>>
      tpu.enqueue_dma source(%arg11 : memref<128x128xf32, #tpu.memory_space<vmem>>) target(%dma_start3A_145 : memref<128x128xf32, #tpu.memory_space<hbm>>) target_semaphore(%arg15 : memref<!tpu.dma_semaphore, #tpu.memory_space<semaphore_mem>>)
      %dma_wait3A_146 = arith.constant 0 : i32
      %dma_wait3A_147 = arith.constant 0 : i32
      %dma_wait3A_148 = tpu.memref_slice %arg2[%dma_wait3A_146, %dma_wait3A_147] : memref<50000x128xf32, #tpu.memory_space<hbm>> -> memref<50000x128xf32, #tpu.memory_space<hbm>>
      tpu.wait_indirect_dma semaphore(%arg14 : memref<!tpu.dma_semaphore, #tpu.memory_space<semaphore_mem>>) src(%dma_wait3A_148 : memref<50000x128xf32, #tpu.memory_space<hbm>>) dst(%arg12 : memref<128x128xf32, #tpu.memory_space<vmem>>)
      %add3A_149 = arith.constant 384 : i32
      %add3A_150 = arith.addi %add3A_65, %add3A_149 : i32
      %dma_start3A_151 = arith.constant 0 : i32
      %dma_start3A_152 = tpu.memref_slice %arg4[%add3A_150, %dma_start3A_151] : memref<800000x128xf32, #tpu.memory_space<hbm>> -> memref<128x128xf32, #tpu.memory_space<hbm>>
      %dma_start3A_153 = arith.constant 0 : i32
      %dma_start3A_154 = tpu.memref_slice %arg4[%add3A_150, %dma_start3A_153] : memref<800000x128xf32, #tpu.memory_space<hbm>> -> memref<128x128xf32, #tpu.memory_space<hbm>>
      tpu.enqueue_dma source(%arg12 : memref<128x128xf32, #tpu.memory_space<vmem>>) target(%dma_start3A_154 : memref<128x128xf32, #tpu.memory_space<hbm>>) target_semaphore(%arg15 : memref<!tpu.dma_semaphore, #tpu.memory_space<semaphore_mem>>)
    }
    %scan3A_7 = arith.constant 48 : i32
    %dma_wait3A = arith.constant 0 : i32
    %dma_wait3A_8 = arith.constant 0 : i32
    %dma_wait3A_9 = tpu.memref_slice %arg4[%dma_wait3A, %dma_wait3A_8] : memref<800000x128xf32, #tpu.memory_space<hbm>> -> memref<128x128xf32, #tpu.memory_space<hbm>>
    %dma_wait3A_10 = arith.constant 0 : i32
    %dma_wait3A_11 = arith.constant 0 : i32
    %dma_wait3A_12 = tpu.memref_slice %arg4[%dma_wait3A_10, %dma_wait3A_11] : memref<800000x128xf32, #tpu.memory_space<hbm>> -> memref<128x128xf32, #tpu.memory_space<hbm>>
    tpu.wait_dma2 semaphore(%arg15 : memref<!tpu.dma_semaphore, #tpu.memory_space<semaphore_mem>>) src(%dma_wait3A_12 : memref<128x128xf32, #tpu.memory_space<hbm>>) dst(%arg9 : memref<128x128xf32, #tpu.memory_space<vmem>>)
    %dma_wait3A_13 = arith.constant 0 : i32
    %dma_wait3A_14 = arith.constant 0 : i32
    %dma_wait3A_15 = tpu.memref_slice %arg4[%dma_wait3A_13, %dma_wait3A_14] : memref<800000x128xf32, #tpu.memory_space<hbm>> -> memref<128x128xf32, #tpu.memory_space<hbm>>
    %dma_wait3A_16 = arith.constant 0 : i32
    %dma_wait3A_17 = arith.constant 0 : i32
    %dma_wait3A_18 = tpu.memref_slice %arg4[%dma_wait3A_16, %dma_wait3A_17] : memref<800000x128xf32, #tpu.memory_space<hbm>> -> memref<128x128xf32, #tpu.memory_space<hbm>>
    tpu.wait_dma2 semaphore(%arg15 : memref<!tpu.dma_semaphore, #tpu.memory_space<semaphore_mem>>) src(%dma_wait3A_18 : memref<128x128xf32, #tpu.memory_space<hbm>>) dst(%arg10 : memref<128x128xf32, #tpu.memory_space<vmem>>)
    %dma_wait3A_19 = arith.constant 0 : i32
    %dma_wait3A_20 = arith.constant 0 : i32
    %dma_wait3A_21 = tpu.memref_slice %arg4[%dma_wait3A_19, %dma_wait3A_20] : memref<800000x128xf32, #tpu.memory_space<hbm>> -> memref<128x128xf32, #tpu.memory_space<hbm>>
    %dma_wait3A_22 = arith.constant 0 : i32
    %dma_wait3A_23 = arith.constant 0 : i32
    %dma_wait3A_24 = tpu.memref_slice %arg4[%dma_wait3A_22, %dma_wait3A_23] : memref<800000x128xf32, #tpu.memory_space<hbm>> -> memref<128x128xf32, #tpu.memory_space<hbm>>
    tpu.wait_dma2 semaphore(%arg15 : memref<!tpu.dma_semaphore, #tpu.memory_space<semaphore_mem>>) src(%dma_wait3A_24 : memref<128x128xf32, #tpu.memory_space<hbm>>) dst(%arg11 : memref<128x128xf32, #tpu.memory_space<vmem>>)
    %dma_wait3A_25 = arith.constant 0 : i32
    %dma_wait3A_26 = arith.constant 0 : i32
    %dma_wait3A_27 = tpu.memref_slice %arg4[%dma_wait3A_25, %dma_wait3A_26] : memref<800000x128xf32, #tpu.memory_space<hbm>> -> memref<128x128xf32, #tpu.memory_space<hbm>>
    %dma_wait3A_28 = arith.constant 0 : i32
    %dma_wait3A_29 = arith.constant 0 : i32
    %dma_wait3A_30 = tpu.memref_slice %arg4[%dma_wait3A_28, %dma_wait3A_29] : memref<800000x128xf32, #tpu.memory_space<hbm>> -> memref<128x128xf32, #tpu.memory_space<hbm>>
    tpu.wait_dma2 semaphore(%arg15 : memref<!tpu.dma_semaphore, #tpu.memory_space<semaphore_mem>>) src(%dma_wait3A_30 : memref<128x128xf32, #tpu.memory_space<hbm>>) dst(%arg12 : memref<128x128xf32, #tpu.memory_space<vmem>>)
    %add3A_31 = arith.constant 24576 : i32
    %add3A_32 = arith.addi %mul3A_2, %add3A_31 : i32
    "tpu.region"() ({
      %run_scoped3A = tpu.sem_alloc : memref<!tpu.dma_semaphore, #tpu.memory_space<semaphore_mem>>
      %dma_start3A_62 = tpu.memref_slice %arg3[%add3A_32] : memref<800000xi32, #tpu.memory_space<hbm>> -> memref<128xi32, #tpu.memory_space<hbm>>
      %dma_start3A_63 = tpu.memref_slice %arg3[%add3A_32] : memref<800000xi32, #tpu.memory_space<hbm>> -> memref<128xi32, #tpu.memory_space<hbm>>
      tpu.enqueue_dma source(%dma_start3A_63 : memref<128xi32, #tpu.memory_space<hbm>>) target(%arg5 : memref<128xi32, #tpu.memory_space<vmem>>) target_semaphore(%run_scoped3A : memref<!tpu.dma_semaphore, #tpu.memory_space<semaphore_mem>>)
      %dma_wait3A_64 = tpu.memref_slice %arg3[%add3A_32] : memref<800000xi32, #tpu.memory_space<hbm>> -> memref<128xi32, #tpu.memory_space<hbm>>
      %dma_wait3A_65 = tpu.memref_slice %arg3[%add3A_32] : memref<800000xi32, #tpu.memory_space<hbm>> -> memref<128xi32, #tpu.memory_space<hbm>>
      tpu.wait_dma2 semaphore(%run_scoped3A : memref<!tpu.dma_semaphore, #tpu.memory_space<semaphore_mem>>) src(%dma_wait3A_65 : memref<128xi32, #tpu.memory_space<hbm>>) dst(%arg5 : memref<128xi32, #tpu.memory_space<vmem>>)
      tpu.yield
    }) : () -> ()
    %dma_start3A = arith.constant 0 : i32
    %dma_start3A_33 = arith.constant 0 : i32
    %dma_start3A_34 = tpu.memref_slice %arg2[%dma_start3A, %dma_start3A_33] : memref<50000x128xf32, #tpu.memory_space<hbm>> -> memref<50000x128xf32, #tpu.memory_space<hbm>>
    tpu.enqueue_indirect_dma source(%dma_start3A_34 : memref<50000x128xf32, #tpu.memory_space<hbm>>) target(%arg9 : memref<128x128xf32, #tpu.memory_space<vmem>>) offsets(%arg5 : memref<128xi32, #tpu.memory_space<vmem>>) semaphore(%arg14 : memref<!tpu.dma_semaphore, #tpu.memory_space<semaphore_mem>>)
    %dma_wait3A_35 = arith.constant 0 : i32
    %dma_wait3A_36 = arith.constant 0 : i32
    %dma_wait3A_37 = tpu.memref_slice %arg2[%dma_wait3A_35, %dma_wait3A_36] : memref<50000x128xf32, #tpu.memory_space<hbm>> -> memref<50000x128xf32, #tpu.memory_space<hbm>>
    tpu.wait_indirect_dma semaphore(%arg14 : memref<!tpu.dma_semaphore, #tpu.memory_space<semaphore_mem>>) src(%dma_wait3A_37 : memref<50000x128xf32, #tpu.memory_space<hbm>>) dst(%arg9 : memref<128x128xf32, #tpu.memory_space<vmem>>)
    "tpu.region"() ({
      %run_scoped3A = tpu.sem_alloc : memref<!tpu.dma_semaphore, #tpu.memory_space<semaphore_mem>>
      %dma_start3A_62 = arith.constant 0 : i32
      %dma_start3A_63 = tpu.memref_slice %arg4[%add3A_32, %dma_start3A_62] : memref<800000x128xf32, #tpu.memory_space<hbm>> -> memref<128x128xf32, #tpu.memory_space<hbm>>
      %dma_start3A_64 = arith.constant 0 : i32
      %dma_start3A_65 = tpu.memref_slice %arg4[%add3A_32, %dma_start3A_64] : memref<800000x128xf32, #tpu.memory_space<hbm>> -> memref<128x128xf32, #tpu.memory_space<hbm>>
      tpu.enqueue_dma source(%arg9 : memref<128x128xf32, #tpu.memory_space<vmem>>) target(%dma_start3A_65 : memref<128x128xf32, #tpu.memory_space<hbm>>) target_semaphore(%run_scoped3A : memref<!tpu.dma_semaphore, #tpu.memory_space<semaphore_mem>>)
      %dma_wait3A_66 = arith.constant 0 : i32
      %dma_wait3A_67 = tpu.memref_slice %arg4[%add3A_32, %dma_wait3A_66] : memref<800000x128xf32, #tpu.memory_space<hbm>> -> memref<128x128xf32, #tpu.memory_space<hbm>>
      %dma_wait3A_68 = arith.constant 0 : i32
      %dma_wait3A_69 = tpu.memref_slice %arg4[%add3A_32, %dma_wait3A_68] : memref<800000x128xf32, #tpu.memory_space<hbm>> -> memref<128x128xf32, #tpu.memory_space<hbm>>
      tpu.wait_dma2 semaphore(%run_scoped3A : memref<!tpu.dma_semaphore, #tpu.memory_space<semaphore_mem>>) src(%arg9 : memref<128x128xf32, #tpu.memory_space<vmem>>) dst(%dma_wait3A_69 : memref<128x128xf32, #tpu.memory_space<hbm>>)
      tpu.yield
    }) : () -> ()
    %add3A_38 = arith.constant 24704 : i32
    %add3A_39 = arith.addi %mul3A_2, %add3A_38 : i32
    "tpu.region"() ({
      %run_scoped3A = tpu.sem_alloc : memref<!tpu.dma_semaphore, #tpu.memory_space<semaphore_mem>>
      %dma_start3A_62 = tpu.memref_slice %arg3[%add3A_39] : memref<800000xi32, #tpu.memory_space<hbm>> -> memref<128xi32, #tpu.memory_space<hbm>>
      %dma_start3A_63 = tpu.memref_slice %arg3[%add3A_39] : memref<800000xi32, #tpu.memory_space<hbm>> -> memref<128xi32, #tpu.memory_space<hbm>>
      tpu.enqueue_dma source(%dma_start3A_63 : memref<128xi32, #tpu.memory_space<hbm>>) target(%arg5 : memref<128xi32, #tpu.memory_space<vmem>>) target_semaphore(%run_scoped3A : memref<!tpu.dma_semaphore, #tpu.memory_space<semaphore_mem>>)
      %dma_wait3A_64 = tpu.memref_slice %arg3[%add3A_39] : memref<800000xi32, #tpu.memory_space<hbm>> -> memref<128xi32, #tpu.memory_space<hbm>>
      %dma_wait3A_65 = tpu.memref_slice %arg3[%add3A_39] : memref<800000xi32, #tpu.memory_space<hbm>> -> memref<128xi32, #tpu.memory_space<hbm>>
      tpu.wait_dma2 semaphore(%run_scoped3A : memref<!tpu.dma_semaphore, #tpu.memory_space<semaphore_mem>>) src(%dma_wait3A_65 : memref<128xi32, #tpu.memory_space<hbm>>) dst(%arg5 : memref<128xi32, #tpu.memory_space<vmem>>)
      tpu.yield
    }) : () -> ()
    %dma_start3A_40 = arith.constant 0 : i32
    %dma_start3A_41 = arith.constant 0 : i32
    %dma_start3A_42 = tpu.memref_slice %arg2[%dma_start3A_40, %dma_start3A_41] : memref<50000x128xf32, #tpu.memory_space<hbm>> -> memref<50000x128xf32, #tpu.memory_space<hbm>>
    tpu.enqueue_indirect_dma source(%dma_start3A_42 : memref<50000x128xf32, #tpu.memory_space<hbm>>) target(%arg9 : memref<128x128xf32, #tpu.memory_space<vmem>>) offsets(%arg5 : memref<128xi32, #tpu.memory_space<vmem>>) semaphore(%arg14 : memref<!tpu.dma_semaphore, #tpu.memory_space<semaphore_mem>>)
    %dma_wait3A_43 = arith.constant 0 : i32
    %dma_wait3A_44 = arith.constant 0 : i32
    %dma_wait3A_45 = tpu.memref_slice %arg2[%dma_wait3A_43, %dma_wait3A_44] : memref<50000x128xf32, #tpu.memory_space<hbm>> -> memref<50000x128xf32, #tpu.memory_space<hbm>>
    tpu.wait_indirect_dma semaphore(%arg14 : memref<!tpu.dma_semaphore, #tpu.memory_space<semaphore_mem>>) src(%dma_wait3A_45 : memref<50000x128xf32, #tpu.memory_space<hbm>>) dst(%arg9 : memref<128x128xf32, #tpu.memory_space<vmem>>)
    "tpu.region"() ({
      %run_scoped3A = tpu.sem_alloc : memref<!tpu.dma_semaphore, #tpu.memory_space<semaphore_mem>>
      %dma_start3A_62 = arith.constant 0 : i32
      %dma_start3A_63 = tpu.memref_slice %arg4[%add3A_39, %dma_start3A_62] : memref<800000x128xf32, #tpu.memory_space<hbm>> -> memref<128x128xf32, #tpu.memory_space<hbm>>
      %dma_start3A_64 = arith.constant 0 : i32
      %dma_start3A_65 = tpu.memref_slice %arg4[%add3A_39, %dma_start3A_64] : memref<800000x128xf32, #tpu.memory_space<hbm>> -> memref<128x128xf32, #tpu.memory_space<hbm>>
      tpu.enqueue_dma source(%arg9 : memref<128x128xf32, #tpu.memory_space<vmem>>) target(%dma_start3A_65 : memref<128x128xf32, #tpu.memory_space<hbm>>) target_semaphore(%run_scoped3A : memref<!tpu.dma_semaphore, #tpu.memory_space<semaphore_mem>>)
      %dma_wait3A_66 = arith.constant 0 : i32
      %dma_wait3A_67 = tpu.memref_slice %arg4[%add3A_39, %dma_wait3A_66] : memref<800000x128xf32, #tpu.memory_space<hbm>> -> memref<128x128xf32, #tpu.memory_space<hbm>>
      %dma_wait3A_68 = arith.constant 0 : i32
      %dma_wait3A_69 = tpu.memref_slice %arg4[%add3A_39, %dma_wait3A_68] : memref<800000x128xf32, #tpu.memory_space<hbm>> -> memref<128x128xf32, #tpu.memory_space<hbm>>
      tpu.wait_dma2 semaphore(%run_scoped3A : memref<!tpu.dma_semaphore, #tpu.memory_space<semaphore_mem>>) src(%arg9 : memref<128x128xf32, #tpu.memory_space<vmem>>) dst(%dma_wait3A_69 : memref<128x128xf32, #tpu.memory_space<hbm>>)
      tpu.yield
    }) : () -> ()
    %add3A_46 = arith.constant 24832 : i32
    %add3A_47 = arith.addi %mul3A_2, %add3A_46 : i32
    "tpu.region"() ({
      %run_scoped3A = tpu.sem_alloc : memref<!tpu.dma_semaphore, #tpu.memory_space<semaphore_mem>>
      %dma_start3A_62 = tpu.memref_slice %arg3[%add3A_47] : memref<800000xi32, #tpu.memory_space<hbm>> -> memref<128xi32, #tpu.memory_space<hbm>>
      %dma_start3A_63 = tpu.memref_slice %arg3[%add3A_47] : memref<800000xi32, #tpu.memory_space<hbm>> -> memref<128xi32, #tpu.memory_space<hbm>>
      tpu.enqueue_dma source(%dma_start3A_63 : memref<128xi32, #tpu.memory_space<hbm>>) target(%arg5 : memref<128xi32, #tpu.memory_space<vmem>>) target_semaphore(%run_scoped3A : memref<!tpu.dma_semaphore, #tpu.memory_space<semaphore_mem>>)
      %dma_wait3A_64 = tpu.memref_slice %arg3[%add3A_47] : memref<800000xi32, #tpu.memory_space<hbm>> -> memref<128xi32, #tpu.memory_space<hbm>>
      %dma_wait3A_65 = tpu.memref_slice %arg3[%add3A_47] : memref<800000xi32, #tpu.memory_space<hbm>> -> memref<128xi32, #tpu.memory_space<hbm>>
      tpu.wait_dma2 semaphore(%run_scoped3A : memref<!tpu.dma_semaphore, #tpu.memory_space<semaphore_mem>>) src(%dma_wait3A_65 : memref<128xi32, #tpu.memory_space<hbm>>) dst(%arg5 : memref<128xi32, #tpu.memory_space<vmem>>)
      tpu.yield
    }) : () -> ()
    %dma_start3A_48 = arith.constant 0 : i32
    %dma_start3A_49 = arith.constant 0 : i32
    %dma_start3A_50 = tpu.memref_slice %arg2[%dma_start3A_48, %dma_start3A_49] : memref<50000x128xf32, #tpu.memory_space<hbm>> -> memref<50000x128xf32, #tpu.memory_space<hbm>>
    tpu.enqueue_indirect_dma source(%dma_start3A_50 : memref<50000x128xf32, #tpu.memory_space<hbm>>) target(%arg9 : memref<128x128xf32, #tpu.memory_space<vmem>>) offsets(%arg5 : memref<128xi32, #tpu.memory_space<vmem>>) semaphore(%arg14 : memref<!tpu.dma_semaphore, #tpu.memory_space<semaphore_mem>>)
    %dma_wait3A_51 = arith.constant 0 : i32
    %dma_wait3A_52 = arith.constant 0 : i32
    %dma_wait3A_53 = tpu.memref_slice %arg2[%dma_wait3A_51, %dma_wait3A_52] : memref<50000x128xf32, #tpu.memory_space<hbm>> -> memref<50000x128xf32, #tpu.memory_space<hbm>>
    tpu.wait_indirect_dma semaphore(%arg14 : memref<!tpu.dma_semaphore, #tpu.memory_space<semaphore_mem>>) src(%dma_wait3A_53 : memref<50000x128xf32, #tpu.memory_space<hbm>>) dst(%arg9 : memref<128x128xf32, #tpu.memory_space<vmem>>)
    "tpu.region"() ({
      %run_scoped3A = tpu.sem_alloc : memref<!tpu.dma_semaphore, #tpu.memory_space<semaphore_mem>>
      %dma_start3A_62 = arith.constant 0 : i32
      %dma_start3A_63 = tpu.memref_slice %arg4[%add3A_47, %dma_start3A_62] : memref<800000x128xf32, #tpu.memory_space<hbm>> -> memref<128x128xf32, #tpu.memory_space<hbm>>
      %dma_start3A_64 = arith.constant 0 : i32
      %dma_start3A_65 = tpu.memref_slice %arg4[%add3A_47, %dma_start3A_64] : memref<800000x128xf32, #tpu.memory_space<hbm>> -> memref<128x128xf32, #tpu.memory_space<hbm>>
      tpu.enqueue_dma source(%arg9 : memref<128x128xf32, #tpu.memory_space<vmem>>) target(%dma_start3A_65 : memref<128x128xf32, #tpu.memory_space<hbm>>) target_semaphore(%run_scoped3A : memref<!tpu.dma_semaphore, #tpu.memory_space<semaphore_mem>>)
      %dma_wait3A_66 = arith.constant 0 : i32
      %dma_wait3A_67 = tpu.memref_slice %arg4[%add3A_47, %dma_wait3A_66] : memref<800000x128xf32, #tpu.memory_space<hbm>> -> memref<128x128xf32, #tpu.memory_space<hbm>>
      %dma_wait3A_68 = arith.constant 0 : i32
      %dma_wait3A_69 = tpu.memref_slice %arg4[%add3A_47, %dma_wait3A_68] : memref<800000x128xf32, #tpu.memory_space<hbm>> -> memref<128x128xf32, #tpu.memory_space<hbm>>
      tpu.wait_dma2 semaphore(%run_scoped3A : memref<!tpu.dma_semaphore, #tpu.memory_space<semaphore_mem>>) src(%arg9 : memref<128x128xf32, #tpu.memory_space<vmem>>) dst(%dma_wait3A_69 : memref<128x128xf32, #tpu.memory_space<hbm>>)
      tpu.yield
    }) : () -> ()
    %add3A_54 = arith.constant 24960 : i32
    %add3A_55 = arith.addi %mul3A_2, %add3A_54 : i32
    "tpu.region"() ({
      %run_scoped3A = tpu.sem_alloc : memref<!tpu.dma_semaphore, #tpu.memory_space<semaphore_mem>>
      %dma_start3A_62 = tpu.memref_slice %arg3[%add3A_55] : memref<800000xi32, #tpu.memory_space<hbm>> -> memref<40xi32, #tpu.memory_space<hbm>>
      %dma_start3A_63 = tpu.memref_slice %arg3[%add3A_55] : memref<800000xi32, #tpu.memory_space<hbm>> -> memref<40xi32, #tpu.memory_space<hbm>>
      tpu.enqueue_dma source(%dma_start3A_63 : memref<40xi32, #tpu.memory_space<hbm>>) target(%arg16 : memref<40xi32, #tpu.memory_space<vmem>>) target_semaphore(%run_scoped3A : memref<!tpu.dma_semaphore, #tpu.memory_space<semaphore_mem>>)
      %dma_wait3A_64 = tpu.memref_slice %arg3[%add3A_55] : memref<800000xi32, #tpu.memory_space<hbm>> -> memref<40xi32, #tpu.memory_space<hbm>>
      %dma_wait3A_65 = tpu.memref_slice %arg3[%add3A_55] : memref<800000xi32, #tpu.memory_space<hbm>> -> memref<40xi32, #tpu.memory_space<hbm>>
      tpu.wait_dma2 semaphore(%run_scoped3A : memref<!tpu.dma_semaphore, #tpu.memory_space<semaphore_mem>>) src(%dma_wait3A_65 : memref<40xi32, #tpu.memory_space<hbm>>) dst(%arg16 : memref<40xi32, #tpu.memory_space<vmem>>)
      tpu.yield
    }) : () -> ()
    %dma_start3A_56 = arith.constant 0 : i32
    %dma_start3A_57 = arith.constant 0 : i32
    %dma_start3A_58 = tpu.memref_slice %arg2[%dma_start3A_56, %dma_start3A_57] : memref<50000x128xf32, #tpu.memory_space<hbm>> -> memref<50000x128xf32, #tpu.memory_space<hbm>>
    tpu.enqueue_indirect_dma source(%dma_start3A_58 : memref<50000x128xf32, #tpu.memory_space<hbm>>) target(%arg17 : memref<40x128xf32, #tpu.memory_space<vmem>>) offsets(%arg16 : memref<40xi32, #tpu.memory_space<vmem>>) semaphore(%arg14 : memref<!tpu.dma_semaphore, #tpu.memory_space<semaphore_mem>>)
    %dma_wait3A_59 = arith.constant 0 : i32
    %dma_wait3A_60 = arith.constant 0 : i32
    %dma_wait3A_61 = tpu.memref_slice %arg2[%dma_wait3A_59, %dma_wait3A_60] : memref<50000x128xf32, #tpu.memory_space<hbm>> -> memref<50000x128xf32, #tpu.memory_space<hbm>>
    tpu.wait_indirect_dma semaphore(%arg14 : memref<!tpu.dma_semaphore, #tpu.memory_space<semaphore_mem>>) src(%dma_wait3A_61 : memref<50000x128xf32, #tpu.memory_space<hbm>>) dst(%arg17 : memref<40x128xf32, #tpu.memory_space<vmem>>)
    "tpu.region"() ({
      %run_scoped3A = tpu.sem_alloc : memref<!tpu.dma_semaphore, #tpu.memory_space<semaphore_mem>>
      %dma_start3A_62 = arith.constant 0 : i32
      %dma_start3A_63 = tpu.memref_slice %arg4[%add3A_55, %dma_start3A_62] : memref<800000x128xf32, #tpu.memory_space<hbm>> -> memref<40x128xf32, #tpu.memory_space<hbm>>
      %dma_start3A_64 = arith.constant 0 : i32
      %dma_start3A_65 = tpu.memref_slice %arg4[%add3A_55, %dma_start3A_64] : memref<800000x128xf32, #tpu.memory_space<hbm>> -> memref<40x128xf32, #tpu.memory_space<hbm>>
      tpu.enqueue_dma source(%arg17 : memref<40x128xf32, #tpu.memory_space<vmem>>) target(%dma_start3A_65 : memref<40x128xf32, #tpu.memory_space<hbm>>) target_semaphore(%run_scoped3A : memref<!tpu.dma_semaphore, #tpu.memory_space<semaphore_mem>>)
      %dma_wait3A_66 = arith.constant 0 : i32
      %dma_wait3A_67 = tpu.memref_slice %arg4[%add3A_55, %dma_wait3A_66] : memref<800000x128xf32, #tpu.memory_space<hbm>> -> memref<40x128xf32, #tpu.memory_space<hbm>>
      %dma_wait3A_68 = arith.constant 0 : i32
      %dma_wait3A_69 = tpu.memref_slice %arg4[%add3A_55, %dma_wait3A_68] : memref<800000x128xf32, #tpu.memory_space<hbm>> -> memref<40x128xf32, #tpu.memory_space<hbm>>
      tpu.wait_dma2 semaphore(%run_scoped3A : memref<!tpu.dma_semaphore, #tpu.memory_space<semaphore_mem>>) src(%arg17 : memref<40x128xf32, #tpu.memory_space<vmem>>) dst(%dma_wait3A_69 : memref<40x128xf32, #tpu.memory_space<hbm>>)
      tpu.yield
    }) : () -> ()
    return
  }
}

module attributes {stable_mosaic.version = 14 : i64} {
  func.func @_p0_body(%arg0: i32, %arg1: memref<5000x64xf32, #tpu.memory_space<vmem>>, %arg2: memref<64x64xf32, #tpu.memory_space<vmem>>, %arg3: memref<5000x128xf32, #tpu.memory_space<vmem>>) attributes {dimension_semantics = [#tpu.dimension_semantics<arbitrary>], iteration_bounds = array<i64: 10>, scalar_prefetch = 0 : i64, scratch_operands = 0 : i64, tpu.core_type = #tpu.core_type<tc>, window_params = [{transform_indices = @transform_0, window_bounds = array<i64: 5000, 64>}, {pipeline_mode = #tpu.pipeline_mode<synchronous>, transform_indices = @transform_1, window_bounds = array<i64: 64, 64>}, {transform_indices = @transform_2, window_bounds = array<i64: 5000, 128>}]} {
    %get3A = arith.constant 0 : index
    %get3A_0 = arith.constant 0 : index
    %get3A_1 = vector.load %arg1[%get3A, %get3A_0] : memref<5000x64xf32, #tpu.memory_space<vmem>>, vector<5000x64xf32>
    %get3A_2 = arith.constant 0 : index
    %get3A_3 = arith.constant 0 : index
    %get3A_4 = vector.load %arg2[%get3A_2, %get3A_3] : memref<64x64xf32, #tpu.memory_space<vmem>>, vector<64x64xf32>
    %dot_general3A = arith.constant dense<0.000000e+00> : vector<5000x64xf32>
    %dot_general3A_5 = tpu.matmul %get3A_1, %get3A_4, %dot_general3A {dimension_numbers = #tpu.dot_dimension_numbers<[1], [0], [0], [1], [0, 0, 1, 1], [], []>, transpose_lhs_hint = false} : vector<5000x64xf32>, vector<64x64xf32>, vector<5000x64xf32> -> vector<5000x64xf32>
    %concatenate3A = tpu.concatenate %get3A_1, %dot_general3A_5 in 1 : vector<5000x64xf32>, vector<5000x64xf32> -> vector<5000x128xf32>
    %swap3A = arith.constant 0 : index
    %swap3A_6 = arith.constant 0 : index
    %swap3A_7 = vector.load %arg3[%swap3A, %swap3A_6] : memref<5000x128xf32, #tpu.memory_space<vmem>>, vector<5000x128xf32>
    tpu.vector_store %arg3[%swap3A, %swap3A_6], %concatenate3A {strides = array<i32>} : memref<5000x128xf32, #tpu.memory_space<vmem>>, vector<5000x128xf32>,
    return
  }
  func.func @transform_0(%arg0: i32) -> (i32, i32) {
    %c0_i32 = arith.constant 0 : i32
    %c0_i32_0 = arith.constant 0 : i32
    return %arg0, %c0_i32 : i32, i32
  }
  func.func @transform_1(%arg0: i32) -> (i32, i32) {
    %c0_i32 = arith.constant 0 : i32
    %c0_i32_0 = arith.constant 0 : i32
    %c0_i32_1 = arith.constant 0 : i32
    return %c0_i32, %c0_i32_0 : i32, i32
  }
  func.func @transform_2(%arg0: i32) -> (i32, i32) {
    %c0_i32 = arith.constant 0 : i32
    %c0_i32_0 = arith.constant 0 : i32
    return %arg0, %c0_i32 : i32, i32
  }
}

module attributes {stable_mosaic.version = 14 : i64} {
  func.func @_p1_body(%arg0: i32, %arg1: memref<4000x128xf32, #tpu.memory_space<vmem>>, %arg2: memref<128x256xf32, #tpu.memory_space<vmem>>, %arg3: memref<1x256xf32, #tpu.memory_space<vmem>>, %arg4: memref<8x256xf32, #tpu.memory_space<vmem>>, %arg5: memref<8x256xf32, #tpu.memory_space<vmem>>) attributes {dimension_semantics = [#tpu.dimension_semantics<arbitrary>], iteration_bounds = array<i64: 25>, scalar_prefetch = 0 : i64, scratch_operands = 0 : i64, tpu.core_type = #tpu.core_type<tc>, window_params = [{transform_indices = @transform_0, window_bounds = array<i64: 4000, 128>}, {pipeline_mode = #tpu.pipeline_mode<synchronous>, transform_indices = @transform_1, window_bounds = array<i64: 128, 256>}, {pipeline_mode = #tpu.pipeline_mode<synchronous>, transform_indices = @transform_2, window_bounds = array<i64: 1, 256>}, {pipeline_mode = #tpu.pipeline_mode<synchronous>, transform_indices = @transform_3, window_bounds = array<i64: 8, 256>}, {pipeline_mode = #tpu.pipeline_mode<synchronous>, transform_indices = @transform_4, window_bounds = array<i64: 8, 256>}]} {
    %get3A = arith.constant 0 : index
    %get3A_0 = arith.constant 0 : index
    %get3A_1 = vector.load %arg1[%get3A, %get3A_0] : memref<4000x128xf32, #tpu.memory_space<vmem>>, vector<4000x128xf32>
    %get3A_2 = arith.constant 0 : index
    %get3A_3 = arith.constant 0 : index
    %get3A_4 = vector.load %arg2[%get3A_2, %get3A_3] : memref<128x256xf32, #tpu.memory_space<vmem>>, vector<128x256xf32>
    %dot_general3A = arith.constant dense<0.000000e+00> : vector<4000x256xf32>
    %dot_general3A_5 = tpu.matmul %get3A_1, %get3A_4, %dot_general3A {dimension_numbers = #tpu.dot_dimension_numbers<[1], [0], [0], [1], [0, 0, 1, 1], [], []>, transpose_lhs_hint = false} : vector<4000x128xf32>, vector<128x256xf32>, vector<4000x256xf32> -> vector<4000x256xf32>
    %get3A_6 = arith.constant 0 : index
    %get3A_7 = arith.constant 0 : index
    %get3A_8 = vector.load %arg3[%get3A_6, %get3A_7] : memref<1x256xf32, #tpu.memory_space<vmem>>, vector<1x256xf32>
    %add3A = vector.broadcast %get3A_8 : vector<1x256xf32> to vector<4000x256xf32>
    %add3A_9 = arith.addf %dot_general3A_5, %add3A : vector<4000x256xf32>
    %eq3A = arith.constant 0 : i32
    %eq3A_10 = arith.cmpi eq, %arg0, %eq3A : i32
    %convert_element_type3A = arith.extui %eq3A_10 : i1 to i32
    %cond3A = arith.constant 0 : i32
    %cond3A_11 = arith.cmpi ne, %convert_element_type3A, %cond3A : i32
    scf.if %cond3A_11 {
      %broadcast_in_dim3A_30 = arith.constant 0.000000e+00 : f32
      %broadcast_in_dim3A_31 = vector.broadcast %broadcast_in_dim3A_30 : f32 to vector<8x256xf32>
      %swap3A_32 = arith.constant 0 : index
      %swap3A_33 = arith.constant 0 : index
      %swap3A_34 = vector.load %arg4[%swap3A_32, %swap3A_33] : memref<8x256xf32, #tpu.memory_space<vmem>>, vector<8x256xf32>
      tpu.vector_store %arg4[%swap3A_32, %swap3A_33], %broadcast_in_dim3A_31 {strides = array<i32>} : memref<8x256xf32, #tpu.memory_space<vmem>>, vector<8x256xf32>,
      %broadcast_in_dim3A_35 = arith.constant 0.000000e+00 : f32
      %broadcast_in_dim3A_36 = vector.broadcast %broadcast_in_dim3A_35 : f32 to vector<8x256xf32>
      %swap3A_37 = arith.constant 0 : index
      %swap3A_38 = arith.constant 0 : index
      %swap3A_39 = vector.load %arg5[%swap3A_37, %swap3A_38] : memref<8x256xf32, #tpu.memory_space<vmem>>, vector<8x256xf32>
      tpu.vector_store %arg5[%swap3A_37, %swap3A_38], %broadcast_in_dim3A_36 {strides = array<i32>} : memref<8x256xf32, #tpu.memory_space<vmem>>, vector<8x256xf32>,
    } else {
    }
    %broadcast_in_dim3A = arith.constant 1.000000e+00 : f32
    %broadcast_in_dim3A_12 = vector.broadcast %broadcast_in_dim3A : f32 to vector<8x4000xf32>
    %get3A_13 = arith.constant 0 : index
    %get3A_14 = arith.constant 0 : index
    %get3A_15 = vector.load %arg4[%get3A_13, %get3A_14] : memref<8x256xf32, #tpu.memory_space<vmem>>, vector<8x256xf32>
    %dot_general3A_16 = arith.constant dense<0.000000e+00> : vector<8x256xf32>
    %dot_general3A_17 = tpu.matmul %broadcast_in_dim3A_12, %add3A_9, %dot_general3A_16 {dimension_numbers = #tpu.dot_dimension_numbers<[1], [0], [0], [1], [0, 0, 1, 1], [], []>, transpose_lhs_hint = false} : vector<8x4000xf32>, vector<4000x256xf32>, vector<8x256xf32> -> vector<8x256xf32>
    %add3A_18 = arith.addf %get3A_15, %dot_general3A_17 : vector<8x256xf32>
    %swap3A = arith.constant 0 : index
    %swap3A_19 = arith.constant 0 : index
    %swap3A_20 = vector.load %arg4[%swap3A, %swap3A_19] : memref<8x256xf32, #tpu.memory_space<vmem>>, vector<8x256xf32>
    tpu.vector_store %arg4[%swap3A, %swap3A_19], %add3A_18 {strides = array<i32>} : memref<8x256xf32, #tpu.memory_space<vmem>>, vector<8x256xf32>,
    %get3A_21 = arith.constant 0 : index
    %get3A_22 = arith.constant 0 : index
    %get3A_23 = vector.load %arg5[%get3A_21, %get3A_22] : memref<8x256xf32, #tpu.memory_space<vmem>>, vector<8x256xf32>
    %mul3A = arith.mulf %add3A_9, %add3A_9 : vector<4000x256xf32>
    %dot_general3A_24 = arith.constant dense<0.000000e+00> : vector<8x256xf32>
    %dot_general3A_25 = tpu.matmul %broadcast_in_dim3A_12, %mul3A, %dot_general3A_24 {dimension_numbers = #tpu.dot_dimension_numbers<[1], [0], [0], [1], [0, 0, 1, 1], [], []>, transpose_lhs_hint = false} : vector<8x4000xf32>, vector<4000x256xf32>, vector<8x256xf32> -> vector<8x256xf32>
    %add3A_26 = arith.addf %get3A_23, %dot_general3A_25 : vector<8x256xf32>
    %swap3A_27 = arith.constant 0 : index
    %swap3A_28 = arith.constant 0 : index
    %swap3A_29 = vector.load %arg5[%swap3A_27, %swap3A_28] : memref<8x256xf32, #tpu.memory_space<vmem>>, vector<8x256xf32>
    tpu.vector_store %arg5[%swap3A_27, %swap3A_28], %add3A_26 {strides = array<i32>} : memref<8x256xf32, #tpu.memory_space<vmem>>, vector<8x256xf32>,
    return
  }
  func.func @transform_0(%arg0: i32) -> (i32, i32) {
    %c0_i32 = arith.constant 0 : i32
    %c0_i32_0 = arith.constant 0 : i32
    return %arg0, %c0_i32 : i32, i32
  }
  func.func @transform_1(%arg0: i32) -> (i32, i32) {
    %c0_i32 = arith.constant 0 : i32
    %c0_i32_0 = arith.constant 0 : i32
    %c0_i32_1 = arith.constant 0 : i32
    return %c0_i32, %c0_i32_0 : i32, i32
  }
  func.func @transform_2(%arg0: i32) -> (i32, i32) {
    %c0_i32 = arith.constant 0 : i32
    %c0_i32_0 = arith.constant 0 : i32
    %c0_i32_1 = arith.constant 0 : i32
    return %c0_i32, %c0_i32_0 : i32, i32
  }
  func.func @transform_3(%arg0: i32) -> (i32, i32) {
    %c0_i32 = arith.constant 0 : i32
    %c0_i32_0 = arith.constant 0 : i32
    %c0_i32_1 = arith.constant 0 : i32
    return %c0_i32, %c0_i32_0 : i32, i32
  }
  func.func @transform_4(%arg0: i32) -> (i32, i32) {
    %c0_i32 = arith.constant 0 : i32
    %c0_i32_0 = arith.constant 0 : i32
    %c0_i32_1 = arith.constant 0 : i32
    return %c0_i32, %c0_i32_0 : i32, i32
  }
}

module attributes {stable_mosaic.version = 14 : i64} {
  func.func @_p2_body(%arg0: i32, %arg1: memref<6400x128xf32, #tpu.memory_space<vmem>>, %arg2: memref<6400x16xf32, #tpu.memory_space<vmem>>, %arg3: memref<400x64xf32, #tpu.memory_space<vmem>>, %arg4: memref<8x256xf32, #tpu.memory_space<vmem>>, %arg5: memref<8x256xf32, #tpu.memory_space<vmem>>, %arg6: memref<16x32xf32, #tpu.memory_space<vmem>>, %arg7: memref<1x32xf32, #tpu.memory_space<vmem>>, %arg8: memref<1x32xf32, #tpu.memory_space<vmem>>, %arg9: memref<1x32xf32, #tpu.memory_space<vmem>>, %arg10: memref<32x64xf32, #tpu.memory_space<vmem>>, %arg11: memref<64x32xf32, #tpu.memory_space<vmem>>, %arg12: memref<32x32xf32, #tpu.memory_space<vmem>>, %arg13: memref<64x64xf32, #tpu.memory_space<vmem>>, %arg14: memref<32x64xf32, #tpu.memory_space<vmem>>, %arg15: memref<1x64xf32, #tpu.memory_space<vmem>>, %arg16: memref<64x64xf32, #tpu.memory_space<vmem>>, %arg17: memref<1x64xf32, #tpu.memory_space<vmem>>, %arg18: memref<400x64xf32, #tpu.memory_space<vmem>>, %arg19: memref<400x64xf32, #tpu.memory_space<vmem>>, %arg20: memref<1x64xf32, #tpu.memory_space<vmem>>, %arg21: memref<1x64xf32, #tpu.memory_space<vmem>>, %arg22: memref<1x64xf32, #tpu.memory_space<vmem>>, %arg23: memref<1x64xf32, #tpu.memory_space<vmem>>) attributes {dimension_semantics = [#tpu.dimension_semantics<arbitrary>], iteration_bounds = array<i64: 125>, scalar_prefetch = 0 : i64, scratch_operands = 0 : i64, tpu.core_type = #tpu.core_type<tc>, window_params = [{transform_indices = @transform_0, window_bounds = array<i64: 6400, 128>}, {transform_indices = @transform_1, window_bounds = array<i64: 6400, 16>}, {transform_indices = @transform_2, window_bounds = array<i64: 400, 64>}, {pipeline_mode = #tpu.pipeline_mode<synchronous>, transform_indices = @transform_3, window_bounds = array<i64: 8, 256>}, {pipeline_mode = #tpu.pipeline_mode<synchronous>, transform_indices = @transform_4, window_bounds = array<i64: 8, 256>}, {pipeline_mode = #tpu.pipeline_mode<synchronous>, transform_indices = @transform_5, window_bounds = array<i64: 16, 32>}, {pipeline_mode = #tpu.pipeline_mode<synchronous>, transform_indices = @transform_6, window_bounds = array<i64: 1, 32>}, {pipeline_mode = #tpu.pipeline_mode<synchronous>, transform_indices = @transform_7, window_bounds = array<i64: 1, 32>}, {pipeline_mode = #tpu.pipeline_mode<synchronous>, transform_indices = @transform_8, window_bounds = array<i64: 1, 32>}, {pipeline_mode = #tpu.pipeline_mode<synchronous>, transform_indices = @transform_9, window_bounds = array<i64: 32, 64>}, {pipeline_mode = #tpu.pipeline_mode<synchronous>, transform_indices = @transform_10, window_bounds = array<i64: 64, 32>}, {pipeline_mode = #tpu.pipeline_mode<synchronous>, transform_indices = @transform_11, window_bounds = array<i64: 32, 32>}, {pipeline_mode = #tpu.pipeline_mode<synchronous>, transform_indices = @transform_12, window_bounds = array<i64: 64, 64>}, {pipeline_mode = #tpu.pipeline_mode<synchronous>, transform_indices = @transform_13, window_bounds = array<i64: 32, 64>}, {pipeline_mode = #tpu.pipeline_mode<synchronous>, transform_indices = @transform_14, window_bounds = array<i64: 1, 64>}, {pipeline_mode = #tpu.pipeline_mode<synchronous>, transform_indices = @transform_15, window_bounds = array<i64: 64, 64>}, {pipeline_mode = #tpu.pipeline_mode<synchronous>, transform_indices = @transform_16, window_bounds = array<i64: 1, 64>}, {transform_indices = @transform_17, window_bounds = array<i64: 400, 64>}, {transform_indices = @transform_18, window_bounds = array<i64: 400, 64>}, {pipeline_mode = #tpu.pipeline_mode<synchronous>, transform_indices = @transform_19, window_bounds = array<i64: 1, 64>}, {pipeline_mode = #tpu.pipeline_mode<synchronous>, transform_indices = @transform_20, window_bounds = array<i64: 1, 64>}, {pipeline_mode = #tpu.pipeline_mode<synchronous>, transform_indices = @transform_21, window_bounds = array<i64: 1, 64>}, {pipeline_mode = #tpu.pipeline_mode<synchronous>, transform_indices = @transform_22, window_bounds = array<i64: 1, 64>}]} {
    %get3A = arith.constant 0 : index
    %get3A_0 = arith.constant 0 : index
    %get3A_1 = vector.load %arg4[%get3A, %get3A_0] : memref<8x256xf32, #tpu.memory_space<vmem>>, vector<1x256xf32>
    %get3A_2 = arith.constant 0 : index
    %get3A_3 = arith.constant 0 : index
    %get3A_4 = vector.load %arg5[%get3A_2, %get3A_3] : memref<8x256xf32, #tpu.memory_space<vmem>>, vector<1x256xf32>
    %iota3A = tpu.iota {dimensions = array<i32: 0>} : vector<256x32xi32>
    %jit3A = arith.constant 32 : i32
    %eq3A = arith.constant 0 : i32
    %eq3A_5 = arith.cmpi eq, %jit3A, %eq3A : i32
    %jit3A_6 = arith.constant 1 : i32
    %select_n3A = arith.select %eq3A_5, %jit3A_6, %jit3A : i32
    %rem3A = vector.broadcast %select_n3A : i32 to vector<256x32xi32>
    %rem3A_7 = arith.remsi %iota3A, %rem3A : vector<256x32xi32>
    %ne3A = arith.constant 0 : i32
    %ne3A_8 = vector.broadcast %ne3A : i32 to vector<256x32xi32>
    %ne3A_9 = arith.cmpi ne, %rem3A_7, %ne3A_8 : vector<256x32xi32>
    %lt3A = arith.constant 0 : i32
    %lt3A_10 = vector.broadcast %lt3A : i32 to vector<256x32xi32>
    %lt3A_11 = arith.cmpi slt, %rem3A_7, %lt3A_10 : vector<256x32xi32>
    %lt3A_12 = arith.constant 0 : i32
    %lt3A_13 = arith.cmpi slt, %select_n3A, %lt3A_12 : i32
    %ne3A_14 = vector.broadcast %lt3A_13 : i1 to vector<256x32xi1>
    %ne3A_15 = vector.broadcast %ne3A_14 : vector<256x32xi1> to vector<256x32xi1>
    %ne3A_16 = arith.xori %lt3A_11, %ne3A_15 : vector<256x32xi1>
    %and3A = arith.andi %ne3A_16, %ne3A_9 : vector<256x32xi1>
    %add3A = vector.broadcast %select_n3A : i32 to vector<256x32xi32>
    %add3A_17 = arith.addi %rem3A_7, %add3A : vector<256x32xi32>
    %select_n3A_18 = arith.select %and3A, %add3A_17, %rem3A_7 : vector<256x32xi1>, vector<256x32xi32>
    %iota3A_19 = tpu.iota {dimensions = array<i32: 1>} : vector<256x32xi32>
    %eq3A_20 = arith.cmpi eq, %select_n3A_18, %iota3A_19 : vector<256x32xi32>
    %convert_element_type3A = arith.extui %eq3A_20 : vector<256x32xi1> to vector<256x32xi32>
    %convert_element_type3A_21 = arith.sitofp %convert_element_type3A : vector<256x32xi32> to vector<256x32xf32>
    %dot_general3A = arith.constant dense<0.000000e+00> : vector<1x32xf32>
    %dot_general3A_22 = tpu.matmul %get3A_1, %convert_element_type3A_21, %dot_general3A {dimension_numbers = #tpu.dot_dimension_numbers<[1], [0], [0], [1], [0, 0, 1, 1], [], []>, transpose_lhs_hint = false} : vector<1x256xf32>, vector<256x32xf32>, vector<1x32xf32> -> vector<1x32xf32>
    %dot_general3A_23 = arith.constant dense<0.000000e+00> : vector<1x32xf32>
    %dot_general3A_24 = tpu.matmul %get3A_4, %convert_element_type3A_21, %dot_general3A_23 {dimension_numbers = #tpu.dot_dimension_numbers<[1], [0], [0], [1], [0, 0, 1, 1], [], []>, transpose_lhs_hint = false} : vector<1x256xf32>, vector<256x32xf32>, vector<1x32xf32> -> vector<1x32xf32>
    %mul3A = arith.constant 1.250000e-06 : f32
    %mul3A_25 = vector.broadcast %mul3A : f32 to vector<1x32xf32>
    %mul3A_26 = arith.mulf %dot_general3A_22, %mul3A_25 : vector<1x32xf32>
    %mul3A_27 = arith.constant 1.250000e-06 : f32
    %mul3A_28 = vector.broadcast %mul3A_27 : f32 to vector<1x32xf32>
    %mul3A_29 = arith.mulf %dot_general3A_24, %mul3A_28 : vector<1x32xf32>
    %mul3A_30 = arith.mulf %mul3A_26, %mul3A_26 : vector<1x32xf32>
    %sub3A = arith.subf %mul3A_29, %mul3A_30 : vector<1x32xf32>
    %add3A_31 = arith.constant 9.99999974E-6 : f32
    %add3A_32 = vector.broadcast %add3A_31 : f32 to vector<1x32xf32>
    %add3A_33 = arith.addf %sub3A, %add3A_32 : vector<1x32xf32>
    %rsqrt3A = math.rsqrt %add3A_33 : vector<1x32xf32>
    %get3A_34 = arith.constant 0 : index
    %get3A_35 = arith.constant 0 : index
    %get3A_36 = vector.load %arg8[%get3A_34, %get3A_35] : memref<1x32xf32, #tpu.memory_space<vmem>>, vector<1x32xf32>
    %mul3A_37 = arith.mulf %rsqrt3A, %get3A_36 : vector<1x32xf32>
    %get3A_38 = arith.constant 0 : index
    %get3A_39 = arith.constant 0 : index
    %get3A_40 = vector.load %arg9[%get3A_38, %get3A_39] : memref<1x32xf32, #tpu.memory_space<vmem>>, vector<1x32xf32>
    %mul3A_41 = arith.mulf %mul3A_26, %mul3A_37 : vector<1x32xf32>
    %sub3A_42 = arith.subf %get3A_40, %mul3A_41 : vector<1x32xf32>
    %get3A_43 = arith.constant 0 : index
    %get3A_44 = arith.constant 0 : index
    %get3A_45 = vector.load %arg2[%get3A_43, %get3A_44] : memref<6400x16xf32, #tpu.memory_space<vmem>>, vector<6400x16xf32>
    %get3A_46 = arith.constant 0 : index
    %get3A_47 = arith.constant 0 : index
    %get3A_48 = vector.load %arg6[%get3A_46, %get3A_47] : memref<16x32xf32, #tpu.memory_space<vmem>>, vector<16x32xf32>
    %dot_general3A_49 = arith.constant dense<0.000000e+00> : vector<6400x32xf32>
    %dot_general3A_50 = tpu.matmul %get3A_45, %get3A_48, %dot_general3A_49 {dimension_numbers = #tpu.dot_dimension_numbers<[1], [0], [0], [1], [0, 0, 1, 1], [], []>, transpose_lhs_hint = false} : vector<6400x16xf32>, vector<16x32xf32>, vector<6400x32xf32> -> vector<6400x32xf32>
    %get3A_51 = arith.constant 0 : index
    %get3A_52 = arith.constant 0 : index
    %get3A_53 = vector.load %arg7[%get3A_51, %get3A_52] : memref<1x32xf32, #tpu.memory_space<vmem>>, vector<1x32xf32>
    %add3A_54 = vector.broadcast %get3A_53 : vector<1x32xf32> to vector<6400x32xf32>
    %add3A_55 = arith.addf %dot_general3A_50, %add3A_54 : vector<6400x32xf32>
    %mul3A_56 = vector.broadcast %mul3A_37 : vector<1x32xf32> to vector<6400x32xf32>
    %mul3A_57 = arith.mulf %add3A_55, %mul3A_56 : vector<6400x32xf32>
    %add3A_58 = vector.broadcast %sub3A_42 : vector<1x32xf32> to vector<6400x32xf32>
    %add3A_59 = arith.addf %mul3A_57, %add3A_58 : vector<6400x32xf32>
    %mul3A_60 = arith.constant 2.000000e-01 : f32
    %mul3A_61 = vector.broadcast %mul3A_60 : f32 to vector<6400x32xf32>
    %mul3A_62 = arith.mulf %mul3A_61, %add3A_59 : vector<6400x32xf32>
    %max3A = arith.maximumf %add3A_59, %mul3A_62 : vector<6400x32xf32>
    %get3A_63 = arith.constant 0 : index
    %get3A_64 = arith.constant 0 : index
    %get3A_65 = vector.load %arg1[%get3A_63, %get3A_64] : memref<6400x128xf32, #tpu.memory_space<vmem>>, vector<6400x128xf32>
    %slice3A = vector.extract_strided_slice %get3A_65 {offsets = [0, 0], sizes = [6400, 64], strides = [1, 1]} : vector<6400x128xf32> to vector<6400x64xf32>
    %slice3A_66 = vector.extract_strided_slice %get3A_65 {offsets = [0, 64], sizes = [6400, 64], strides = [1, 1]} : vector<6400x128xf32> to vector<6400x64xf32>
    %get3A_67 = arith.constant 0 : index
    %get3A_68 = arith.constant 0 : index
    %get3A_69 = vector.load %arg10[%get3A_67, %get3A_68] : memref<32x64xf32, #tpu.memory_space<vmem>>, vector<32x64xf32>
    %dot_general3A_70 = arith.constant dense<0.000000e+00> : vector<6400x64xf32>
    %dot_general3A_71 = tpu.matmul %max3A, %get3A_69, %dot_general3A_70 {dimension_numbers = #tpu.dot_dimension_numbers<[1], [0], [0], [1], [0, 0, 1, 1], [], []>, transpose_lhs_hint = false} : vector<6400x32xf32>, vector<32x64xf32>, vector<6400x64xf32> -> vector<6400x64xf32>
    %add3A_72 = arith.addf %slice3A_66, %dot_general3A_71 : vector<6400x64xf32>
    %get3A_73 = arith.constant 0 : index
    %get3A_74 = arith.constant 0 : index
    %get3A_75 = vector.load %arg11[%get3A_73, %get3A_74] : memref<64x32xf32, #tpu.memory_space<vmem>>, vector<64x32xf32>
    %dot_general3A_76 = arith.constant dense<0.000000e+00> : vector<6400x32xf32>
    %dot_general3A_77 = tpu.matmul %slice3A, %get3A_75, %dot_general3A_76 {dimension_numbers = #tpu.dot_dimension_numbers<[1], [0], [0], [1], [0, 0, 1, 1], [], []>, transpose_lhs_hint = false} : vector<6400x64xf32>, vector<64x32xf32>, vector<6400x32xf32> -> vector<6400x32xf32>
    %get3A_78 = arith.constant 0 : index
    %get3A_79 = arith.constant 0 : index
    %get3A_80 = vector.load %arg12[%get3A_78, %get3A_79] : memref<32x32xf32, #tpu.memory_space<vmem>>, vector<32x32xf32>
    %dot_general3A_81 = arith.constant dense<0.000000e+00> : vector<6400x32xf32>
    %dot_general3A_82 = tpu.matmul %max3A, %get3A_80, %dot_general3A_81 {dimension_numbers = #tpu.dot_dimension_numbers<[1], [0], [0], [1], [0, 0, 1, 1], [], []>, transpose_lhs_hint = false} : vector<6400x32xf32>, vector<32x32xf32>, vector<6400x32xf32> -> vector<6400x32xf32>
    %add3A_83 = arith.addf %dot_general3A_77, %dot_general3A_82 : vector<6400x32xf32>
    %exp3A = math.exp %add3A_72 : vector<6400x64xf32>
    %exp3A_84 = math.exp %add3A_83 : vector<6400x32xf32>
    %reshape3A = vector.shape_cast %slice3A : vector<6400x64xf32> to vector<50x16x8x64xf32>
    %reshape3A_85 = vector.shape_cast %max3A : vector<6400x32xf32> to vector<50x16x8x32xf32>
    %reshape3A_86 = vector.shape_cast %exp3A : vector<6400x64xf32> to vector<50x16x8x64xf32>
    %reshape3A_87 = vector.shape_cast %exp3A_84 : vector<6400x32xf32> to vector<50x16x8x32xf32>
    %mul3A_88 = arith.mulf %reshape3A_86, %reshape3A : vector<50x16x8x64xf32>
    %reduce_sum3A = arith.constant dense<0.000000e+00> : vector<50x8x64xf32>
    %reduce_sum3A_89 = vector.multi_reduction <add>, %mul3A_88, %reduce_sum3A [1] : vector<50x16x8x64xf32> to vector<50x8x64xf32>
    %reduce_sum3A_90 = arith.constant dense<0.000000e+00> : vector<50x8x64xf32>
    %reduce_sum3A_91 = vector.multi_reduction <add>, %reshape3A_86, %reduce_sum3A_90 [1] : vector<50x16x8x64xf32> to vector<50x8x64xf32>
    %div3A = arith.divf %reduce_sum3A_89, %reduce_sum3A_91 : vector<50x8x64xf32>
    %reshape3A_92 = vector.shape_cast %div3A : vector<50x8x64xf32> to vector<400x64xf32>
    %mul3A_93 = arith.mulf %reshape3A_87, %reshape3A_85 : vector<50x16x8x32xf32>
    %reduce_sum3A_94 = arith.constant dense<0.000000e+00> : vector<50x8x32xf32>
    %reduce_sum3A_95 = vector.multi_reduction <add>, %mul3A_93, %reduce_sum3A_94 [1] : vector<50x16x8x32xf32> to vector<50x8x32xf32>
    %reduce_sum3A_96 = arith.constant dense<0.000000e+00> : vector<50x8x32xf32>
    %reduce_sum3A_97 = vector.multi_reduction <add>, %reshape3A_87, %reduce_sum3A_96 [1] : vector<50x16x8x32xf32> to vector<50x8x32xf32>
    %div3A_98 = arith.divf %reduce_sum3A_95, %reduce_sum3A_97 : vector<50x8x32xf32>
    %reshape3A_99 = vector.shape_cast %div3A_98 : vector<50x8x32xf32> to vector<400x32xf32>
    %get3A_100 = arith.constant 0 : index
    %get3A_101 = arith.constant 0 : index
    %get3A_102 = vector.load %arg13[%get3A_100, %get3A_101] : memref<64x64xf32, #tpu.memory_space<vmem>>, vector<64x64xf32>
    %dot_general3A_103 = arith.constant dense<0.000000e+00> : vector<400x64xf32>
    %dot_general3A_104 = tpu.matmul %reshape3A_92, %get3A_102, %dot_general3A_103 {dimension_numbers = #tpu.dot_dimension_numbers<[1], [0], [0], [1], [0, 0, 1, 1], [], []>, transpose_lhs_hint = false} : vector<400x64xf32>, vector<64x64xf32>, vector<400x64xf32> -> vector<400x64xf32>
    %get3A_105 = arith.constant 0 : index
    %get3A_106 = arith.constant 0 : index
    %get3A_107 = vector.load %arg14[%get3A_105, %get3A_106] : memref<32x64xf32, #tpu.memory_space<vmem>>, vector<32x64xf32>
    %dot_general3A_108 = arith.constant dense<0.000000e+00> : vector<400x64xf32>
    %dot_general3A_109 = tpu.matmul %reshape3A_99, %get3A_107, %dot_general3A_108 {dimension_numbers = #tpu.dot_dimension_numbers<[1], [0], [0], [1], [0, 0, 1, 1], [], []>, transpose_lhs_hint = false} : vector<400x32xf32>, vector<32x64xf32>, vector<400x64xf32> -> vector<400x64xf32>
    %add3A_110 = arith.addf %dot_general3A_104, %dot_general3A_109 : vector<400x64xf32>
    %get3A_111 = arith.constant 0 : index
    %get3A_112 = arith.constant 0 : index
    %get3A_113 = vector.load %arg15[%get3A_111, %get3A_112] : memref<1x64xf32, #tpu.memory_space<vmem>>, vector<1x64xf32>
    %add3A_114 = vector.broadcast %get3A_113 : vector<1x64xf32> to vector<400x64xf32>
    %add3A_115 = arith.addf %add3A_110, %add3A_114 : vector<400x64xf32>
    %get3A_116 = arith.constant 0 : index
    %get3A_117 = arith.constant 0 : index
    %get3A_118 = vector.load %arg3[%get3A_116, %get3A_117] : memref<400x64xf32, #tpu.memory_space<vmem>>, vector<400x64xf32>
    %get3A_119 = arith.constant 0 : index
    %get3A_120 = arith.constant 0 : index
    %get3A_121 = vector.load %arg16[%get3A_119, %get3A_120] : memref<64x64xf32, #tpu.memory_space<vmem>>, vector<64x64xf32>
    %dot_general3A_122 = arith.constant dense<0.000000e+00> : vector<400x64xf32>
    %dot_general3A_123 = tpu.matmul %get3A_118, %get3A_121, %dot_general3A_122 {dimension_numbers = #tpu.dot_dimension_numbers<[1], [0], [0], [1], [0, 0, 1, 1], [], []>, transpose_lhs_hint = false} : vector<400x64xf32>, vector<64x64xf32>, vector<400x64xf32> -> vector<400x64xf32>
    %get3A_124 = arith.constant 0 : index
    %get3A_125 = arith.constant 0 : index
    %get3A_126 = vector.load %arg17[%get3A_124, %get3A_125] : memref<1x64xf32, #tpu.memory_space<vmem>>, vector<1x64xf32>
    %add3A_127 = vector.broadcast %get3A_126 : vector<1x64xf32> to vector<400x64xf32>
    %add3A_128 = arith.addf %dot_general3A_123, %add3A_127 : vector<400x64xf32>
    %swap3A = arith.constant 0 : index
    %swap3A_129 = arith.constant 0 : index
    %swap3A_130 = vector.load %arg18[%swap3A, %swap3A_129] : memref<400x64xf32, #tpu.memory_space<vmem>>, vector<400x64xf32>
    tpu.vector_store %arg18[%swap3A, %swap3A_129], %add3A_115 {strides = array<i32>} : memref<400x64xf32, #tpu.memory_space<vmem>>, vector<400x64xf32>,
    %swap3A_131 = arith.constant 0 : index
    %swap3A_132 = arith.constant 0 : index
    %swap3A_133 = vector.load %arg19[%swap3A_131, %swap3A_132] : memref<400x64xf32, #tpu.memory_space<vmem>>, vector<400x64xf32>
    tpu.vector_store %arg19[%swap3A_131, %swap3A_132], %add3A_128 {strides = array<i32>} : memref<400x64xf32, #tpu.memory_space<vmem>>, vector<400x64xf32>,
    %eq3A_134 = arith.constant 0 : i32
    %eq3A_135 = arith.cmpi eq, %arg0, %eq3A_134 : i32
    %convert_element_type3A_136 = arith.extui %eq3A_135 : i1 to i32
    %cond3A = arith.constant 0 : i32
    %cond3A_137 = arith.cmpi ne, %convert_element_type3A_136, %cond3A : i32
    scf.if %cond3A_137 {
      %broadcast_in_dim3A_179 = arith.constant 0.000000e+00 : f32
      %broadcast_in_dim3A_180 = vector.broadcast %broadcast_in_dim3A_179 : f32 to vector<1x64xf32>
      %swap3A_181 = arith.constant 0 : index
      %swap3A_182 = arith.constant 0 : index
      %swap3A_183 = vector.load %arg20[%swap3A_181, %swap3A_182] : memref<1x64xf32, #tpu.memory_space<vmem>>, vector<1x64xf32>
      tpu.vector_store %arg20[%swap3A_181, %swap3A_182], %broadcast_in_dim3A_180 {strides = array<i32>} : memref<1x64xf32, #tpu.memory_space<vmem>>, vector<1x64xf32>,
      %broadcast_in_dim3A_184 = arith.constant 0.000000e+00 : f32
      %broadcast_in_dim3A_185 = vector.broadcast %broadcast_in_dim3A_184 : f32 to vector<1x64xf32>
      %swap3A_186 = arith.constant 0 : index
      %swap3A_187 = arith.constant 0 : index
      %swap3A_188 = vector.load %arg21[%swap3A_186, %swap3A_187] : memref<1x64xf32, #tpu.memory_space<vmem>>, vector<1x64xf32>
      tpu.vector_store %arg21[%swap3A_186, %swap3A_187], %broadcast_in_dim3A_185 {strides = array<i32>} : memref<1x64xf32, #tpu.memory_space<vmem>>, vector<1x64xf32>,
      %broadcast_in_dim3A_189 = arith.constant 0.000000e+00 : f32
      %broadcast_in_dim3A_190 = vector.broadcast %broadcast_in_dim3A_189 : f32 to vector<1x64xf32>
      %swap3A_191 = arith.constant 0 : index
      %swap3A_192 = arith.constant 0 : index
      %swap3A_193 = vector.load %arg22[%swap3A_191, %swap3A_192] : memref<1x64xf32, #tpu.memory_space<vmem>>, vector<1x64xf32>
      tpu.vector_store %arg22[%swap3A_191, %swap3A_192], %broadcast_in_dim3A_190 {strides = array<i32>} : memref<1x64xf32, #tpu.memory_space<vmem>>, vector<1x64xf32>,
      %broadcast_in_dim3A_194 = arith.constant 0.000000e+00 : f32
      %broadcast_in_dim3A_195 = vector.broadcast %broadcast_in_dim3A_194 : f32 to vector<1x64xf32>
      %swap3A_196 = arith.constant 0 : index
      %swap3A_197 = arith.constant 0 : index
      %swap3A_198 = vector.load %arg23[%swap3A_196, %swap3A_197] : memref<1x64xf32, #tpu.memory_space<vmem>>, vector<1x64xf32>
      tpu.vector_store %arg23[%swap3A_196, %swap3A_197], %broadcast_in_dim3A_195 {strides = array<i32>} : memref<1x64xf32, #tpu.memory_space<vmem>>, vector<1x64xf32>,
    } else {
    }
    %get3A_138 = arith.constant 0 : index
    %get3A_139 = arith.constant 0 : index
    %get3A_140 = vector.load %arg20[%get3A_138, %get3A_139] : memref<1x64xf32, #tpu.memory_space<vmem>>, vector<1x64xf32>
    %reduce_sum3A_141 = arith.constant dense<0.000000e+00> : vector<64xf32>
    %reduce_sum3A_142 = vector.multi_reduction <add>, %add3A_115, %reduce_sum3A_141 [0] : vector<400x64xf32> to vector<64xf32>
    %broadcast_in_dim3A = vector.shape_cast %reduce_sum3A_142 : vector<64xf32> to vector<1x64xf32>
    %add3A_143 = arith.addf %get3A_140, %broadcast_in_dim3A : vector<1x64xf32>
    %swap3A_144 = arith.constant 0 : index
    %swap3A_145 = arith.constant 0 : index
    %swap3A_146 = vector.load %arg20[%swap3A_144, %swap3A_145] : memref<1x64xf32, #tpu.memory_space<vmem>>, vector<1x64xf32>
    tpu.vector_store %arg20[%swap3A_144, %swap3A_145], %add3A_143 {strides = array<i32>} : memref<1x64xf32, #tpu.memory_space<vmem>>, vector<1x64xf32>,
    %get3A_147 = arith.constant 0 : index
    %get3A_148 = arith.constant 0 : index
    %get3A_149 = vector.load %arg21[%get3A_147, %get3A_148] : memref<1x64xf32, #tpu.memory_space<vmem>>, vector<1x64xf32>
    %mul3A_150 = arith.mulf %add3A_115, %add3A_115 : vector<400x64xf32>
    %reduce_sum3A_151 = arith.constant dense<0.000000e+00> : vector<64xf32>
    %reduce_sum3A_152 = vector.multi_reduction <add>, %mul3A_150, %reduce_sum3A_151 [0] : vector<400x64xf32> to vector<64xf32>
    %broadcast_in_dim3A_153 = vector.shape_cast %reduce_sum3A_152 : vector<64xf32> to vector<1x64xf32>
    %add3A_154 = arith.addf %get3A_149, %broadcast_in_dim3A_153 : vector<1x64xf32>
    %swap3A_155 = arith.constant 0 : index
    %swap3A_156 = arith.constant 0 : index
    %swap3A_157 = vector.load %arg21[%swap3A_155, %swap3A_156] : memref<1x64xf32, #tpu.memory_space<vmem>>, vector<1x64xf32>
    tpu.vector_store %arg21[%swap3A_155, %swap3A_156], %add3A_154 {strides = array<i32>} : memref<1x64xf32, #tpu.memory_space<vmem>>, vector<1x64xf32>,
    %get3A_158 = arith.constant 0 : index
    %get3A_159 = arith.constant 0 : index
    %get3A_160 = vector.load %arg22[%get3A_158, %get3A_159] : memref<1x64xf32, #tpu.memory_space<vmem>>, vector<1x64xf32>
    %reduce_sum3A_161 = arith.constant dense<0.000000e+00> : vector<64xf32>
    %reduce_sum3A_162 = vector.multi_reduction <add>, %add3A_128, %reduce_sum3A_161 [0] : vector<400x64xf32> to vector<64xf32>
    %broadcast_in_dim3A_163 = vector.shape_cast %reduce_sum3A_162 : vector<64xf32> to vector<1x64xf32>
    %add3A_164 = arith.addf %get3A_160, %broadcast_in_dim3A_163 : vector<1x64xf32>
    %swap3A_165 = arith.constant 0 : index
    %swap3A_166 = arith.constant 0 : index
    %swap3A_167 = vector.load %arg22[%swap3A_165, %swap3A_166] : memref<1x64xf32, #tpu.memory_space<vmem>>, vector<1x64xf32>
    tpu.vector_store %arg22[%swap3A_165, %swap3A_166], %add3A_164 {strides = array<i32>} : memref<1x64xf32, #tpu.memory_space<vmem>>, vector<1x64xf32>,
    %get3A_168 = arith.constant 0 : index
    %get3A_169 = arith.constant 0 : index
    %get3A_170 = vector.load %arg23[%get3A_168, %get3A_169] : memref<1x64xf32, #tpu.memory_space<vmem>>, vector<1x64xf32>
    %mul3A_171 = arith.mulf %add3A_128, %add3A_128 : vector<400x64xf32>
    %reduce_sum3A_172 = arith.constant dense<0.000000e+00> : vector<64xf32>
    %reduce_sum3A_173 = vector.multi_reduction <add>, %mul3A_171, %reduce_sum3A_172 [0] : vector<400x64xf32> to vector<64xf32>
    %broadcast_in_dim3A_174 = vector.shape_cast %reduce_sum3A_173 : vector<64xf32> to vector<1x64xf32>
    %add3A_175 = arith.addf %get3A_170, %broadcast_in_dim3A_174 : vector<1x64xf32>
    %swap3A_176 = arith.constant 0 : index
    %swap3A_177 = arith.constant 0 : index
    %swap3A_178 = vector.load %arg23[%swap3A_176, %swap3A_177] : memref<1x64xf32, #tpu.memory_space<vmem>>, vector<1x64xf32>
    tpu.vector_store %arg23[%swap3A_176, %swap3A_177], %add3A_175 {strides = array<i32>} : memref<1x64xf32, #tpu.memory_space<vmem>>, vector<1x64xf32>,
    return
  }
  func.func @transform_0(%arg0: i32) -> (i32, i32) {
    %c0_i32 = arith.constant 0 : i32
    %c0_i32_0 = arith.constant 0 : i32
    return %arg0, %c0_i32 : i32, i32
  }
  func.func @transform_1(%arg0: i32) -> (i32, i32) {
    %c0_i32 = arith.constant 0 : i32
    %c0_i32_0 = arith.constant 0 : i32
    return %arg0, %c0_i32 : i32, i32
  }
  func.func @transform_2(%arg0: i32) -> (i32, i32) {
    %c0_i32 = arith.constant 0 : i32
    %c0_i32_0 = arith.constant 0 : i32
    return %arg0, %c0_i32 : i32, i32
  }
  func.func @transform_3(%arg0: i32) -> (i32, i32) {
    %c0_i32 = arith.constant 0 : i32
    %c0_i32_0 = arith.constant 0 : i32
    %c0_i32_1 = arith.constant 0 : i32
    return %c0_i32, %c0_i32_0 : i32, i32
  }
  func.func @transform_4(%arg0: i32) -> (i32, i32) {
    %c0_i32 = arith.constant 0 : i32
    %c0_i32_0 = arith.constant 0 : i32
    %c0_i32_1 = arith.constant 0 : i32
    return %c0_i32, %c0_i32_0 : i32, i32
  }
  func.func @transform_5(%arg0: i32) -> (i32, i32) {
    %c0_i32 = arith.constant 0 : i32
    %c0_i32_0 = arith.constant 0 : i32
    %c0_i32_1 = arith.constant 0 : i32
    return %c0_i32, %c0_i32_0 : i32, i32
  }
  func.func @transform_6(%arg0: i32) -> (i32, i32) {
    %c0_i32 = arith.constant 0 : i32
    %c0_i32_0 = arith.constant 0 : i32
    %c0_i32_1 = arith.constant 0 : i32
    return %c0_i32, %c0_i32_0 : i32, i32
  }
  func.func @transform_7(%arg0: i32) -> (i32, i32) {
    %c0_i32 = arith.constant 0 : i32
    %c0_i32_0 = arith.constant 0 : i32
    %c0_i32_1 = arith.constant 0 : i32
    return %c0_i32, %c0_i32_0 : i32, i32
  }
  func.func @transform_8(%arg0: i32) -> (i32, i32) {
    %c0_i32 = arith.constant 0 : i32
    %c0_i32_0 = arith.constant 0 : i32
    %c0_i32_1 = arith.constant 0 : i32
    return %c0_i32, %c0_i32_0 : i32, i32
  }
  func.func @transform_9(%arg0: i32) -> (i32, i32) {
    %c0_i32 = arith.constant 0 : i32
    %c0_i32_0 = arith.constant 0 : i32
    %c0_i32_1 = arith.constant 0 : i32
    return %c0_i32, %c0_i32_0 : i32, i32
  }
  func.func @transform_10(%arg0: i32) -> (i32, i32) {
    %c0_i32 = arith.constant 0 : i32
    %c0_i32_0 = arith.constant 0 : i32
    %c0_i32_1 = arith.constant 0 : i32
    return %c0_i32, %c0_i32_0 : i32, i32
  }
  func.func @transform_11(%arg0: i32) -> (i32, i32) {
    %c0_i32 = arith.constant 0 : i32
    %c0_i32_0 = arith.constant 0 : i32
    %c0_i32_1 = arith.constant 0 : i32
    return %c0_i32, %c0_i32_0 : i32, i32
  }
  func.func @transform_12(%arg0: i32) -> (i32, i32) {
    %c0_i32 = arith.constant 0 : i32
    %c0_i32_0 = arith.constant 0 : i32
    %c0_i32_1 = arith.constant 0 : i32
    return %c0_i32, %c0_i32_0 : i32, i32
  }
  func.func @transform_13(%arg0: i32) -> (i32, i32) {
    %c0_i32 = arith.constant 0 : i32
    %c0_i32_0 = arith.constant 0 : i32
    %c0_i32_1 = arith.constant 0 : i32
    return %c0_i32, %c0_i32_0 : i32, i32
  }
  func.func @transform_14(%arg0: i32) -> (i32, i32) {
    %c0_i32 = arith.constant 0 : i32
    %c0_i32_0 = arith.constant 0 : i32
    %c0_i32_1 = arith.constant 0 : i32
    return %c0_i32, %c0_i32_0 : i32, i32
  }
  func.func @transform_15(%arg0: i32) -> (i32, i32) {
    %c0_i32 = arith.constant 0 : i32
    %c0_i32_0 = arith.constant 0 : i32
    %c0_i32_1 = arith.constant 0 : i32
    return %c0_i32, %c0_i32_0 : i32, i32
  }
  func.func @transform_16(%arg0: i32) -> (i32, i32) {
    %c0_i32 = arith.constant 0 : i32
    %c0_i32_0 = arith.constant 0 : i32
    %c0_i32_1 = arith.constant 0 : i32
    return %c0_i32, %c0_i32_0 : i32, i32
  }
  func.func @transform_17(%arg0: i32) -> (i32, i32) {
    %c0_i32 = arith.constant 0 : i32
    %c0_i32_0 = arith.constant 0 : i32
    return %arg0, %c0_i32 : i32, i32
  }
  func.func @transform_18(%arg0: i32) -> (i32, i32) {
    %c0_i32 = arith.constant 0 : i32
    %c0_i32_0 = arith.constant 0 : i32
    return %arg0, %c0_i32 : i32, i32
  }
  func.func @transform_19(%arg0: i32) -> (i32, i32) {
    %c0_i32 = arith.constant 0 : i32
    %c0_i32_0 = arith.constant 0 : i32
    %c0_i32_1 = arith.constant 0 : i32
    return %c0_i32, %c0_i32_0 : i32, i32
  }
  func.func @transform_20(%arg0: i32) -> (i32, i32) {
    %c0_i32 = arith.constant 0 : i32
    %c0_i32_0 = arith.constant 0 : i32
    %c0_i32_1 = arith.constant 0 : i32
    return %c0_i32, %c0_i32_0 : i32, i32
  }
  func.func @transform_21(%arg0: i32) -> (i32, i32) {
    %c0_i32 = arith.constant 0 : i32
    %c0_i32_0 = arith.constant 0 : i32
    %c0_i32_1 = arith.constant 0 : i32
    return %c0_i32, %c0_i32_0 : i32, i32
  }
  func.func @transform_22(%arg0: i32) -> (i32, i32) {
    %c0_i32 = arith.constant 0 : i32
    %c0_i32_0 = arith.constant 0 : i32
    %c0_i32_1 = arith.constant 0 : i32
    return %c0_i32, %c0_i32_0 : i32, i32
  }
}

module attributes {stable_mosaic.version = 14 : i64} {
  func.func @_p3_body(%arg0: i32, %arg1: memref<5000x64xf32, #tpu.memory_space<vmem>>, %arg2: memref<5000x64xf32, #tpu.memory_space<vmem>>, %arg3: memref<1x64xf32, #tpu.memory_space<vmem>>, %arg4: memref<1x64xf32, #tpu.memory_space<vmem>>, %arg5: memref<1x64xf32, #tpu.memory_space<vmem>>, %arg6: memref<1x64xf32, #tpu.memory_space<vmem>>, %arg7: memref<1x64xf32, #tpu.memory_space<vmem>>, %arg8: memref<1x64xf32, #tpu.memory_space<vmem>>, %arg9: memref<1x64xf32, #tpu.memory_space<vmem>>, %arg10: memref<1x64xf32, #tpu.memory_space<vmem>>, %arg11: memref<5000x64xf32, #tpu.memory_space<vmem>>) attributes {dimension_semantics = [#tpu.dimension_semantics<arbitrary>], iteration_bounds = array<i64: 10>, scalar_prefetch = 0 : i64, scratch_operands = 0 : i64, tpu.core_type = #tpu.core_type<tc>, window_params = [{transform_indices = @transform_0, window_bounds = array<i64: 5000, 64>}, {transform_indices = @transform_1, window_bounds = array<i64: 5000, 64>}, {pipeline_mode = #tpu.pipeline_mode<synchronous>, transform_indices = @transform_2, window_bounds = array<i64: 1, 64>}, {pipeline_mode = #tpu.pipeline_mode<synchronous>, transform_indices = @transform_3, window_bounds = array<i64: 1, 64>}, {pipeline_mode = #tpu.pipeline_mode<synchronous>, transform_indices = @transform_4, window_bounds = array<i64: 1, 64>}, {pipeline_mode = #tpu.pipeline_mode<synchronous>, transform_indices = @transform_5, window_bounds = array<i64: 1, 64>}, {pipeline_mode = #tpu.pipeline_mode<synchronous>, transform_indices = @transform_6, window_bounds = array<i64: 1, 64>}, {pipeline_mode = #tpu.pipeline_mode<synchronous>, transform_indices = @transform_7, window_bounds = array<i64: 1, 64>}, {pipeline_mode = #tpu.pipeline_mode<synchronous>, transform_indices = @transform_8, window_bounds = array<i64: 1, 64>}, {pipeline_mode = #tpu.pipeline_mode<synchronous>, transform_indices = @transform_9, window_bounds = array<i64: 1, 64>}, {transform_indices = @transform_10, window_bounds = array<i64: 5000, 64>}]} {
    %get3A = arith.constant 0 : index
    %get3A_0 = arith.constant 0 : index
    %get3A_1 = vector.load %arg3[%get3A, %get3A_0] : memref<1x64xf32, #tpu.memory_space<vmem>>, vector<1x64xf32>
    %mul3A = arith.constant 2.000000e-05 : f32
    %mul3A_2 = vector.broadcast %mul3A : f32 to vector<1x64xf32>
    %mul3A_3 = arith.mulf %get3A_1, %mul3A_2 : vector<1x64xf32>
    %get3A_4 = arith.constant 0 : index
    %get3A_5 = arith.constant 0 : index
    %get3A_6 = vector.load %arg4[%get3A_4, %get3A_5] : memref<1x64xf32, #tpu.memory_space<vmem>>, vector<1x64xf32>
    %mul3A_7 = arith.constant 2.000000e-05 : f32
    %mul3A_8 = vector.broadcast %mul3A_7 : f32 to vector<1x64xf32>
    %mul3A_9 = arith.mulf %get3A_6, %mul3A_8 : vector<1x64xf32>
    %mul3A_10 = arith.mulf %mul3A_3, %mul3A_3 : vector<1x64xf32>
    %sub3A = arith.subf %mul3A_9, %mul3A_10 : vector<1x64xf32>
    %add3A = arith.constant 9.99999974E-6 : f32
    %add3A_11 = vector.broadcast %add3A : f32 to vector<1x64xf32>
    %add3A_12 = arith.addf %sub3A, %add3A_11 : vector<1x64xf32>
    %rsqrt3A = math.rsqrt %add3A_12 : vector<1x64xf32>
    %get3A_13 = arith.constant 0 : index
    %get3A_14 = arith.constant 0 : index
    %get3A_15 = vector.load %arg7[%get3A_13, %get3A_14] : memref<1x64xf32, #tpu.memory_space<vmem>>, vector<1x64xf32>
    %mul3A_16 = arith.mulf %rsqrt3A, %get3A_15 : vector<1x64xf32>
    %get3A_17 = arith.constant 0 : index
    %get3A_18 = arith.constant 0 : index
    %get3A_19 = vector.load %arg5[%get3A_17, %get3A_18] : memref<1x64xf32, #tpu.memory_space<vmem>>, vector<1x64xf32>
    %mul3A_20 = arith.constant 2.000000e-05 : f32
    %mul3A_21 = vector.broadcast %mul3A_20 : f32 to vector<1x64xf32>
    %mul3A_22 = arith.mulf %get3A_19, %mul3A_21 : vector<1x64xf32>
    %get3A_23 = arith.constant 0 : index
    %get3A_24 = arith.constant 0 : index
    %get3A_25 = vector.load %arg6[%get3A_23, %get3A_24] : memref<1x64xf32, #tpu.memory_space<vmem>>, vector<1x64xf32>
    %mul3A_26 = arith.constant 2.000000e-05 : f32
    %mul3A_27 = vector.broadcast %mul3A_26 : f32 to vector<1x64xf32>
    %mul3A_28 = arith.mulf %get3A_25, %mul3A_27 : vector<1x64xf32>
    %mul3A_29 = arith.mulf %mul3A_22, %mul3A_22 : vector<1x64xf32>
    %sub3A_30 = arith.subf %mul3A_28, %mul3A_29 : vector<1x64xf32>
    %add3A_31 = arith.constant 9.99999974E-6 : f32
    %add3A_32 = vector.broadcast %add3A_31 : f32 to vector<1x64xf32>
    %add3A_33 = arith.addf %sub3A_30, %add3A_32 : vector<1x64xf32>
    %rsqrt3A_34 = math.rsqrt %add3A_33 : vector<1x64xf32>
    %get3A_35 = arith.constant 0 : index
    %get3A_36 = arith.constant 0 : index
    %get3A_37 = vector.load %arg9[%get3A_35, %get3A_36] : memref<1x64xf32, #tpu.memory_space<vmem>>, vector<1x64xf32>
    %mul3A_38 = arith.mulf %rsqrt3A_34, %get3A_37 : vector<1x64xf32>
    %get3A_39 = arith.constant 0 : index
    %get3A_40 = arith.constant 0 : index
    %get3A_41 = vector.load %arg1[%get3A_39, %get3A_40] : memref<5000x64xf32, #tpu.memory_space<vmem>>, vector<5000x64xf32>
    %sub3A_42 = vector.broadcast %mul3A_3 : vector<1x64xf32> to vector<5000x64xf32>
    %sub3A_43 = arith.subf %get3A_41, %sub3A_42 : vector<5000x64xf32>
    %mul3A_44 = vector.broadcast %mul3A_16 : vector<1x64xf32> to vector<5000x64xf32>
    %mul3A_45 = arith.mulf %sub3A_43, %mul3A_44 : vector<5000x64xf32>
    %get3A_46 = arith.constant 0 : index
    %get3A_47 = arith.constant 0 : index
    %get3A_48 = vector.load %arg8[%get3A_46, %get3A_47] : memref<1x64xf32, #tpu.memory_space<vmem>>, vector<1x64xf32>
    %add3A_49 = vector.broadcast %get3A_48 : vector<1x64xf32> to vector<5000x64xf32>
    %add3A_50 = arith.addf %mul3A_45, %add3A_49 : vector<5000x64xf32>
    %get3A_51 = arith.constant 0 : index
    %get3A_52 = arith.constant 0 : index
    %get3A_53 = vector.load %arg2[%get3A_51, %get3A_52] : memref<5000x64xf32, #tpu.memory_space<vmem>>, vector<5000x64xf32>
    %sub3A_54 = vector.broadcast %mul3A_22 : vector<1x64xf32> to vector<5000x64xf32>
    %sub3A_55 = arith.subf %get3A_53, %sub3A_54 : vector<5000x64xf32>
    %mul3A_56 = vector.broadcast %mul3A_38 : vector<1x64xf32> to vector<5000x64xf32>
    %mul3A_57 = arith.mulf %sub3A_55, %mul3A_56 : vector<5000x64xf32>
    %add3A_58 = arith.addf %add3A_50, %mul3A_57 : vector<5000x64xf32>
    %get3A_59 = arith.constant 0 : index
    %get3A_60 = arith.constant 0 : index
    %get3A_61 = vector.load %arg10[%get3A_59, %get3A_60] : memref<1x64xf32, #tpu.memory_space<vmem>>, vector<1x64xf32>
    %add3A_62 = vector.broadcast %get3A_61 : vector<1x64xf32> to vector<5000x64xf32>
    %add3A_63 = arith.addf %add3A_58, %add3A_62 : vector<5000x64xf32>
    %mul3A_64 = arith.constant 2.000000e-01 : f32
    %mul3A_65 = vector.broadcast %mul3A_64 : f32 to vector<5000x64xf32>
    %mul3A_66 = arith.mulf %mul3A_65, %add3A_63 : vector<5000x64xf32>
    %max3A = arith.maximumf %add3A_63, %mul3A_66 : vector<5000x64xf32>
    %swap3A = arith.constant 0 : index
    %swap3A_67 = arith.constant 0 : index
    %swap3A_68 = vector.load %arg11[%swap3A, %swap3A_67] : memref<5000x64xf32, #tpu.memory_space<vmem>>, vector<5000x64xf32>
    tpu.vector_store %arg11[%swap3A, %swap3A_67], %max3A {strides = array<i32>} : memref<5000x64xf32, #tpu.memory_space<vmem>>, vector<5000x64xf32>,
    return
  }
  func.func @transform_0(%arg0: i32) -> (i32, i32) {
    %c0_i32 = arith.constant 0 : i32
    %c0_i32_0 = arith.constant 0 : i32
    return %arg0, %c0_i32 : i32, i32
  }
  func.func @transform_1(%arg0: i32) -> (i32, i32) {
    %c0_i32 = arith.constant 0 : i32
    %c0_i32_0 = arith.constant 0 : i32
    return %arg0, %c0_i32 : i32, i32
  }
  func.func @transform_2(%arg0: i32) -> (i32, i32) {
    %c0_i32 = arith.constant 0 : i32
    %c0_i32_0 = arith.constant 0 : i32
    %c0_i32_1 = arith.constant 0 : i32
    return %c0_i32, %c0_i32_0 : i32, i32
  }
  func.func @transform_3(%arg0: i32) -> (i32, i32) {
    %c0_i32 = arith.constant 0 : i32
    %c0_i32_0 = arith.constant 0 : i32
    %c0_i32_1 = arith.constant 0 : i32
    return %c0_i32, %c0_i32_0 : i32, i32
  }
  func.func @transform_4(%arg0: i32) -> (i32, i32) {
    %c0_i32 = arith.constant 0 : i32
    %c0_i32_0 = arith.constant 0 : i32
    %c0_i32_1 = arith.constant 0 : i32
    return %c0_i32, %c0_i32_0 : i32, i32
  }
  func.func @transform_5(%arg0: i32) -> (i32, i32) {
    %c0_i32 = arith.constant 0 : i32
    %c0_i32_0 = arith.constant 0 : i32
    %c0_i32_1 = arith.constant 0 : i32
    return %c0_i32, %c0_i32_0 : i32, i32
  }
  func.func @transform_6(%arg0: i32) -> (i32, i32) {
    %c0_i32 = arith.constant 0 : i32
    %c0_i32_0 = arith.constant 0 : i32
    %c0_i32_1 = arith.constant 0 : i32
    return %c0_i32, %c0_i32_0 : i32, i32
  }
  func.func @transform_7(%arg0: i32) -> (i32, i32) {
    %c0_i32 = arith.constant 0 : i32
    %c0_i32_0 = arith.constant 0 : i32
    %c0_i32_1 = arith.constant 0 : i32
    return %c0_i32, %c0_i32_0 : i32, i32
  }
  func.func @transform_8(%arg0: i32) -> (i32, i32) {
    %c0_i32 = arith.constant 0 : i32
    %c0_i32_0 = arith.constant 0 : i32
    %c0_i32_1 = arith.constant 0 : i32
    return %c0_i32, %c0_i32_0 : i32, i32
  }
  func.func @transform_9(%arg0: i32) -> (i32, i32) {
    %c0_i32 = arith.constant 0 : i32
    %c0_i32_0 = arith.constant 0 : i32
    %c0_i32_1 = arith.constant 0 : i32
    return %c0_i32, %c0_i32_0 : i32, i32
  }
  func.func @transform_10(%arg0: i32) -> (i32, i32) {
    %c0_i32 = arith.constant 0 : i32
    %c0_i32_0 = arith.constant 0 : i32
    return %arg0, %c0_i32 : i32, i32
  }
}

</mosaic_0001>

<sc_bundles>
// kernel: kernel.7.cloned.1.call-start
scs
__scs_entry_jumppad:
0x0: {  	(pc) =	sbr.rel $0x88, $3  }
0x1: {  	(tag) =	ssettag $0x0;
	lr =	simm.s32 $0x1  }
0x2: {  	[smem:$0x3F90] =	sst lr;
	_ =	strace $0xD0000000  }
0x3: {  	_ = 	snop  }
0x4: {  	_ = 	snop  }
0x5: {  	_ = 	snop  }
0x6: {  	_ = 	snop  }
0x7: {  	_ = 	snop  }
__scs_overlays_trampoline_lowered:
0x8: {  	[smem:$0x3F9F] =	sst s0  }
0x9: {  	[smem:$0x3FA0] =	sst s1  }
0xa: {  	[smem:$0x3FA1] =	sst s2  }
0xb: {  	[smem:$0x3FA2] =	sst s3  }
0xc: {  	[smem:$0x3FA3] =	sst s4  }
0xd: {  	[smem:$0x3FA4] =	sst s5  }
0xe: {  	[smem:$0x3FA5] =	sst s6  }
0xf: {  	[smem:$0x3FA6] =	sst s7  }
0x10: {  	[smem:$0x3FA7] =	sst s8  }
0x11: {  	[smem:$0x3FA8] =	sst s9;
	s0 =	simm.s32 @!p0 $0x0  }
0x12: {  	s1 =	sld [smem:$0x3F8E];
	s0 =	simm.s32 @p0 $0x1  }
0x13: {  	[smem:$0x3FA9] =	sst s0;
	s0 =	simm.s32 @!p1 $0x0  }
0x14: {  	s2 =	sld [smem:$0x3F8D];
	s0 =	simm.s32 @p1 $0x1  }
0x15: {  	[smem:$0x3FAA] =	sst s0;
	s0 =	simm.s32 @!p2 $0x0  }
0x16: {  	s3 =	sld [smem:$0x3FDB];
	s0 =	simm.s32 @p2 $0x1  }
0x17: {  	s4 =	simm.s32 $0x1BF5;
	[smem:$0x3FAC] =	sst s0  }
0x18: {  	s0 =	sld [smem:$0x3F8F];
	_ =	swait.ge [sflag:s4], $0x0  }
0x19: {  	s7 =	sld [smem:$0x3F90]  }
0x1a: {  	s8 =	sadd.s32 $0xFFFFE003, lr  }
0x1b: {  	s9 =	sadd.s32 $0xFFFFFEF7, lr;
	s5 =	simm.s32 $0xFFFFFFFF;
	p2 =	slt.u32 s8, $0xFFFFF086  }
0x1c: {  	p1 =	slt.u32 s9, $0xF7A;
	s5 =	simm.s32 @!p2 $0x0  }
0x1d: {  	s5 =	simm.s32 @p1 $0x1;
	p0 =	seq.s32 s7, s2  }
0x1e: {  	s7 =	smul.u32 @!p0 $0xF7A, s2;
	p2 =	seq.s32 @!p0 s5, $0x0  }
0x1f: {  	s9 =	smul.u32 $0xF7A, s1;
	s8 =	simm.s32 @!p0 $0x1BF5;
	p2 =	por !p2, p0  }
0x20: {  	[sflag:s8] =	ssyncset.s32 @!p0 $0xFFFFF086;
	s6 =	sadd.s32 @!p0 s3, s7;
	s7 =	simm.s32 @!p0 $0x108  }
0x21: {  	s3 =	sadd.s32 s3, s9;
	s6 =	sadd.s32 @!p0 $0x88, s6;
	s7 =	simm.s32 @p2 $0x1082  }
0x22: {  	[simem:s7], [sflag:s8] =	dma.local @!p0 [hbm:s6], $0xF7A  }
0x23: {  	s9 =	sor.u32 $0xD0000000, s2;
	s6 =	simm.s32 $0x108;
	_ =	swait.ge @!p0 [sflag:s8], $0x0  }
0x24: {  	s3 =	sadd.s32 $0x88, s3;
	s6 =	simm.s32 @!p1 $0x1082;
	[sflag:s4] =	ssyncset.s32 $0xFFFFF086  }
0x25: {  	[simem:s6], [sflag:s4] =	dma.local [hbm:s3], $0xF7A  }
0x26: {  	[smem:$0x3F90] =	sst s1;
	(tag) =	ssettag s2;
	_ =	strace s9  }
0x27: {  	s1 =	sld [smem:$0x3FA0]  }
0x28: {  	s2 =	sld [smem:$0x3FA1]  }
0x29: {  	s4 =	sld [smem:$0x3FA3]  }
0x2a: {  	p0 =	seq.s32 s5, $0x0;
	s5 =	sld [smem:$0x3FA4]  }
0x2b: {  	s6 =	sld [smem:$0x3FA5]  }
0x2c: {  	s7 =	sld [smem:$0x3FA6]  }
0x2d: {  	s3 =	simm.s32 $0x108;
	s8 =	sld [smem:$0x3FA7]  }
0x2e: {  	s3 =	simm.s32 @!p0 $0x1082;
	s9 =	sld [smem:$0x3FA8]  }
0x2f: {  	lr =	sadd.s32 s0, s3;
	s0 =	sld [smem:$0x3F9F]  }
0x30: {  	s3 =	sld [smem:$0x3FA2]  }
0x31: {  	[smem:$0x3FAB] =	sst s10  }
0x32: {  	s10 =	sld [smem:$0x3FA9];
	_ =	sdelay $0x3  }
0x33: {  	p0 =	seq.s32 s10, $0x1;
	s10 =	sld [smem:$0x3FAB];
	_ =	sdelay $0x3  }
0x34: {  	[smem:$0x3FAB] =	sst s10  }
0x35: {  	s10 =	sld [smem:$0x3FAA];
	_ =	sdelay $0x3  }
0x36: {  	p1 =	seq.s32 s10, $0x1;
	s10 =	sld [smem:$0x3FAB];
	_ =	sdelay $0x3  }
0x37: {  	[smem:$0x3FAB] =	sst s10  }
0x38: {  	s10 =	sld [smem:$0x3FAC]  }
0x39: {  	_ = 	snop;
	(pc) =	sbr.ind lr, $3  }
0x3a: {  	_ = 	snop  }
0x3b: {  	_ = 	snop  }
0x3c: {  	p2 =	seq.s32 s10, $0x1;
	s10 =	sld [smem:$0x3FAB]  }
0x3d: {  	_ =	shalt  }
0x3e: {  	_ =	shalt  }
0x3f: {  	_ =	shalt  }
0x40: {  	_ =	shalt  }
0x41: {  	_ =	shalt  }
0x42: {  	_ =	shalt  }
0x43: {  	_ =	shalt  }
0x44: {  	_ =	shalt  }
0x45: {  	_ =	shalt  }
0x46: {  	_ =	shalt  }
0x47: {  	_ =	shalt  }
0x48: {  	_ =	shalt  }
0x49: {  	_ =	shalt  }
0x4a: {  	_ =	shalt  }
0x4b: {  	_ =	shalt  }
0x4c: {  	_ =	shalt  }
0x4d: {  	_ =	shalt  }
0x4e: {  	_ =	shalt  }
0x4f: {  	_ =	shalt  }
0x50: {  	_ =	shalt  }
0x51: {  	_ =	shalt  }
0x52: {  	_ =	shalt  }
0x53: {  	_ =	shalt  }
0x54: {  	_ =	shalt  }
0x55: {  	_ =	shalt  }
0x56: {  	_ =	shalt  }
0x57: {  	_ =	shalt  }
0x58: {  	_ =	shalt  }
0x59: {  	_ =	shalt  }
0x5a: {  	_ =	shalt  }
0x5b: {  	_ =	shalt  }
0x5c: {  	_ =	shalt  }
0x5d: {  	_ =	shalt  }
0x5e: {  	_ =	shalt  }
0x5f: {  	_ =	shalt  }
0x60: {  	_ =	shalt  }
0x61: {  	_ =	shalt  }
0x62: {  	_ =	shalt  }
0x63: {  	_ =	shalt  }
0x64: {  	_ =	shalt  }
0x65: {  	_ =	shalt  }
0x66: {  	_ =	shalt  }
0x67: {  	_ =	shalt  }
0x68: {  	_ =	shalt  }
0x69: {  	_ =	shalt  }
0x6a: {  	_ =	shalt  }
0x6b: {  	_ =	shalt  }
0x6c: {  	_ =	shalt  }
0x6d: {  	_ =	shalt  }
0x6e: {  	_ =	shalt  }
0x6f: {  	_ =	shalt  }
0x70: {  	_ =	shalt  }
0x71: {  	_ =	shalt  }
0x72: {  	_ =	shalt  }
0x73: {  	_ =	shalt  }
0x74: {  	_ =	shalt  }
0x75: {  	_ =	shalt  }
0x76: {  	_ =	shalt  }
0x77: {  	_ =	shalt  }
0x78: {  	_ =	shalt  }
0x79: {  	_ =	shalt  }
0x7a: {  	_ =	shalt  }
0x7b: {  	_ =	shalt  }
0x7c: {  	_ =	shalt  }
0x7d: {  	_ =	shalt  }
0x7e: {  	_ =	shalt  }
0x7f: {  	_ =	shalt  }
0x80: {  	_ =	shalt  }
0x81: {  	_ =	shalt  }
0x82: {  	_ =	shalt  }
0x83: {  	_ =	shalt  }
0x84: {  	_ =	shalt  }
0x85: {  	_ =	shalt  }
0x86: {  	_ =	shalt  }
0x87: {  	_ =	shalt  }
.Lfunc_end0:
.L_simem_size_0:
called_computation.1_lowered:
.L_overlay_start_0:
0x88: {  	s2 =	sld [smem:$0x3FD9]  }
0x89: {  	s3 =	sld [smem:$0x3FFE];
	_ =	sdelay $0x1  }
0x8a: {  	s1 =	srdreg.scid  }
0x8b: {  	s0 =	sand.u32 $0x1, s1  }
0x8c: {  	s15 =	sshll.u32 s0, $0xA;
	s2 =	sadd.s32 s3, s2  }
0x8d: {  	s2 =	sadd.s32 s2, s15  }
0x8e: {  	[smem:$0x3FB7] =	sst s2  }
0x8f: {  	_ = 	snop  }
0x90: {  	s2 =	sld [smem:$0x3FD0];
	_ =	sdelay $0x2  }
0x91: {  	s16 =	simm.s32 $0xB;
	s4 =	simm.s32 $0x10  }
0x92: {  	[smem:s4], [sflag:s16] =	dma.local [hbm:s2], $0x1  }
0x93: {  	_ =	swait.eq [sflag:s16], $0x1  }
0x94: {  	[sflag:s16] =	ssyncset.done $0x0  }
0x95: {  	[sflag:s16] =	ssyncadd.s32 $0xFFFFFFFF  }
0x96: {  	s17 =	sld [smem:$0x13];
	(tm) =	ssettm $0x1  }
0x97: {  	s18 =	sld [smem:$0x3FFB];
	_ =	sdelay $0x3  }
0x98: {  	_ =	strace s18  }
0x99: {  	s2 =	sld [smem:$0x3FFC];
	_ =	sdelay $0x3  }
0x9a: {  	_ =	strace s2  }
0x9b: {  	s2 =	sld [smem:$0x3FFD];
	_ =	sdelay $0x3  }
0x9c: {  	_ =	strace s2  }
0x9d: {  	_ =	strace $0x8FFFFFFF  }
0x9e: {  	s19 =	sld [smem:$0x3FDB];
	_ =	sdelay $0x1  }
0x9f: {  	s20 =	simm.s32 $_scs_section_size  }
0xa0: {  	s5 =	simm.s32 $_size__tile_overlayer_lowered;
	s6 =	simm.s32 $_tile_overlayer_lowered  }
0xa1: {  	s7 =	simm.s32 $0x1BFF;
	s21 =	sshll.u32 s6, $0x1;
	s4 =	sadd.s32 s20, s19  }
0xa2: {  	s22 =	simm.s32 $0x0;
	s5 =	sshll.u32 s5, $0x1;
	s6 =	sadd.s32 s21, s4  }
0xa3: {  	[timem:s22], [sflag:s7] =	dma.local [hbm:s6], s5  }
0xa4: {  	_ =	swait.ge [sflag:s7], s5  }
0xa5: {  	s5 =	ssub.s32 $0x0, s5;
	[sflag:s7] =	ssyncset.done $0x0  }
0xa6: {  	[sflag:s7] =	ssyncadd.s32 s5;
	_ =	sdelay $0x1  }
0xa7: {  	s23 =	simm.s32 $0x1B8B  }
0xa8: {  	_ =	swait.ge [sflag:s23], $0x1  }
0xa9: {  	[sflag:s23] =	ssyncset.done $0x0  }
0xaa: {  	[sflag:s23] =	ssyncadd.s32 $0xFFFFFFFF  }
0xab: {  	s5 =	sld [smem:$0x0]  }
0xac: {  	s6 =	sand.u32 $0xFFFFFFFE, s1  }
0xad: {  	p0 =	sne.s32 s1, s6  }
0xae: {  	s6 =	sshll.u32 @p0 s6, $0xE  }
0xaf: {  	s6 =	sadd.s32 @p0 $0x11B8D, s6;
	s7 =	sshll.u32 @p0 s5, $0x11  }
0xb0: {  	s6 =	sor.u32 @p0 s7, s6  }
0xb1: {  	[sflag:s6] =	ssyncadd.remote.s32 @p0 $0x1;
	_ =	sdelay $0x1  }
0xb2: {  	s6 =	simm.s32 @p0 $0x1B8D  }
0xb3: {  	_ =	swait.eq @p0 [sflag:s6], $0x1  }
0xb4: {  	[sflag:s6] =	ssyncadd.s32 @p0 $0xFFFFFFFF  }
0xb5: {  	s7 =	sshll.u32 @!p0 s1, $0xE  }
0xb6: {  	s7 =	sor.u32 @!p0 $0x4000, s7;
	s6 =	simm.s32 @!p0 $0x1B8D  }
0xb7: {  	s5 =	sshll.u32 @!p0 s5, $0x11;
	s7 =	sadd.s32 @!p0 $0x11B8D, s7;
	_ =	swait.eq @!p0 [sflag:s6], $0x1  }
0xb8: {  	s5 =	sor.u32 @!p0 s5, s7;
	[sflag:s6] =	ssyncadd.s32 @!p0 $0xFFFFFFFF  }
0xb9: {  	s25 =	simm.s32 $0x1B8E;
	s24 =	sld [smem:$0x3FFE];
	[sflag:s5] =	ssyncadd.remote.s32 @!p0 $0x1  }
0xba: {  	s26 =	simm.s32 $execute0_lowered;
	[smem:$0x3FD2] =	sst s25  }
0xbb: {  	s6 =	sshll.u32 s26, $0x1;
	_ =	strace $0x80000049;
	[dreg:$0x1] =	wrdreg $0xFFFFFFFF  }
0xbc: {  	s28 =	simm.s32 $_size_execute0_lowered;
	s4 =	sadd.s32 s4, s6;
	[dreg:$0x0] =	wrdreg $0x0  }
0xbd: {  	s6 =	sshll.u32 s28, $0x1;
	[dreg:$0x2] =	wrdreg s4  }
0xbe: {  	[dreg:$0x3] =	wrdreg s6  }
0xbf: {  	[dreg:$0x4] =	wrdreg $0xC0  }
0xc0: {  	_ =	task [dreg:s22], $0x5FFFF  }
0xc1: {  	[dreg:$0x1] =	wrdreg $0xFFFFFFFF  }
0xc2: {  	[dreg:$0x0] =	wrdreg $0x60  }
0xc3: {  	[dreg:$0x2] =	wrdreg s24  }
0xc4: {  	[dreg:$0x3] =	wrdreg s17  }
0xc5: {  	[dreg:$0x4] =	wrdreg $0xA  }
0xc6: {  	_ =	task.clear_ibuf [dreg:s22], $0x5FFFF;
	_ =	strace $0x90000049  }
0xc7: {  	s29 =	simm.s32 $0xA;
	_ =	strace $0x8000004B  }
0xc8: {  	_ =	swait.ge [sflag:s29], $0x1  }
0xc9: {  	[sflag:s29] =	ssyncadd.s32 $0xFFFFFFFF  }
0xca: {  	_ =	strace $0x9000004B  }
0xcb: {  	_ =	sfence  }
0xcc: {  	s30 =	sld [smem:$0x0];
	_ =	sdelay $0x2  }
0xcd: {  	s31 =	sshll.u32 s1, $0xD;
	s1 =	sshrl.u32 s1, $0x2  }
0xce: {  	s4 =	sand.u32 $0x4000, s31;
	s1 =	sadd.s32 s1, s30  }
0xcf: {  	s0 =	sor.u32 s4, s0;
	s1 =	sshll.u32 s1, $0x11  }
0xd0: {  	s0 =	sor.u32 s1, s0  }
0xd1: {  	s0 =	sadd.s32 $0x8F2B, s0  }
0xd2: {  	[sflag:s0] =	ssyncadd.remote.s32 $0x1  }
0xd3: {  	_ =	sfence.sel $0xFFFF  }
0xd4: {  	[dreg:$0x0] =	wrdreg $0xFFFFFFFF;
	(pc) =	sbr.abs _section_cstart, $3  }
0xd5: {  	[dreg:$0x1] =	wrdreg $0xFFFFFFFF  }
0xd6: {  	_ =	task.clear_ibuf [dreg:s22], $0x2FFFF;
	_ =	strace $0x9FFFFFFF  }
0xd7: {  	(tm) =	ssettm $0x7FFFFFFF  }
tec
execute0_lowered:
.L_overlay_start_1:
0x0: {  	(tag) =	ssettag $0x1  }
0x1: {  	s0 =	rddreg [dreg:$0x0]  }
0x2: {  	s1 =	srdreg.scid;
	s13 =	stileid.u32  }
0x3: {  	s5 =	rddreg [dreg:$0x1];
	s2 =	simm.s32 $0x0;
	s28 =	simm.s32 $0x100  }
0x4: {  	s29 =	simm.s32 $0x10280;
	s1 =	sand.u32 $0x1, s1;
	s3 =	sshll.u32 s13, $0x1  }
0x5: {  	s30 =	simm.s32 $0x0;
	[smem:$0x7FF] =	sst s2;
	s3 =	sor.u32 s1, s3  }
0x6: {  	_ =	strace $0x8000004A;
	s6 =	ssub.s32 $0x2, s1;
	s4 =	smul.u32 $0x61A8, s3  }
0x7: {  	[dreg:$0x3] =	wrdreg s28;
	s3 =	sadd.s32 $0x1930600, s0;
	s7 =	sshrl.u32 s6, $0x1  }
0x8: {  	s0 =	sadd.s32 $0x19F3C00, s0;
	s6 =	ssub.s32 s6, s7;
	s8 =	sadd.s32 $0x6000, s4  }
0x9: {  	s9 =	sadd.s32 $0x6080, s4;
	s22 =	smax.u32 s6, $0x1;
	s31 =	sshrl.u32 s8, $0x3  }
0xa: {  	s10 =	sshll.u32 s8, $0x4;
	s11 =	sshrl.u32 s9, $0x3;
	s14 =	sshll.u32 s9, $0x4  }
0xb: {  	[dreg:$0xe] =	wrdreg s22;
	s12 =	sadd.s32 s5, s11;
	s11 =	smul.u32 $0xC3500, s13  }
0xc: {  	s22 =	simm.s32 $0x2;
	s7 =	sadd.s32 s5, s31;
	s13 =	smul.u32 $0xC350, s13  }
0xd: {  	s31 =	simm.s32 $0x8200;
	[dreg:$0x6] =	wrdreg s7;
	s7 =	sadd.s32 s0, s10  }
0xe: {  	[dreg:$0x8] =	wrdreg s12;
	s10 =	sadd.s32 $0x6100, s4;
	s12 =	smul.u32 $0x61A80, s1  }
0xf: {  	s4 =	sadd.s32 $0x6180, s4;
	s1 =	smul.u32 $0x61A8, s1;
	[dreg:$0x5] =	wrdreg s31  }
0x10: {  	[dreg:$0x7] =	wrdreg s7;
	s15 =	sshrl.u32 s10, $0x3;
	s7 =	sadd.s32 s0, s14  }
0x11: {  	s17 =	sshll.u32 s10, $0x4;
	[dreg:$0x9] =	wrdreg s7;
	s16 =	sadd.s32 s5, s15  }
0x12: {  	s19 =	sshrl.u32 s4, $0x3;
	s18 =	sadd.s32 s0, s17;
	[dreg:$0xa] =	wrdreg s16  }
0x13: {  	s4 =	sshll.u32 s4, $0x4;
	s20 =	sadd.s32 s5, s19;
	[dreg:$0xb] =	wrdreg s18  }
0x14: {  	s14 =	sadd.s32 s11, s0;
	s0 =	sadd.s32 s0, s4;
	[dreg:$0xc] =	wrdreg s20  }
0x15: {  	s21 =	sadd.s32 s12, s14;
	s1 =	sadd.s32 s1, s13;
	[dreg:$0xd] =	wrdreg s0  }
0x16: {  	s17 =	simm.s32 $0x80;
	s19 =	simm.s32 $0x1;
	[dreg:$0x4] =	wrdreg s21  }
0x17: {  	s23 =	sshrl.u32 s1, $0x3;
	s24 =	sadd.s32 $0x180, s1;
	s25 =	sadd.s32 $0x100, s1  }
0x18: {  	s1 =	sadd.s32 $0x80, s1;
	s18 =	simm.s32 $0x180;
	s20 =	simm.s32 $0x4200  }
0x19: {  	s21 =	simm.s32 $0xC200;
	s4 =	sadd.s32 s23, s5;
	s0 =	sshrl.u32 s24, $0x3  }
0x1a: {  	s6 =	sshrl.u32 s25, $0x3;
	s26 =	sshrl.u32 s1, $0x3;
	s23 =	simm.s32 $0x200  }
0x1b: {  	s24 =	simm.s32 $0x3;
	s25 =	simm.s32 $0x4;
	s14 =	sadd.s32 s0, s5  }
0x1c: {  	s15 =	sadd.s32 s6, s5;
	s16 =	sadd.s32 s26, s5;
	s26 =	simm.s32 $0x10200  }
.LBB2_1:
0x1d: {  	[tilespmem:s2], [sflag:$0x1] =	stream.linear.gather [hbm4b:s4+s2], $0x80, $0x38;
	[tilespmem:$0x11680] =	vst v63  }
0x1e: {  	_ = 	snop  }
0x1f: {  	[tilespmem:s17], [sflag:$0x1] =	stream.linear.gather [hbm4b:s16+s2], $0x80, $0x38;
	[tilespmem:$0x11680] =	vst v63  }
0x20: {  	s0 =	rddreg [dreg:$0x3]  }
0x21: {  	[tilespmem:s0], [sflag:$0x1] =	stream.linear.gather [hbm4b:s15+s2], $0x80, $0x38;
	[tilespmem:$0x11680] =	vst v63  }
0x22: {  	_ = 	snop  }
0x23: {  	[tilespmem:s18], [sflag:$0x1] =	stream.linear.gather [hbm4b:s14+s2], $0x80, $0x38;
	[tilespmem:$0x11680] =	vst v63  }
0x24: {  	p0 =	por $0x1, $0x1;
	_ =	swait.ge [sflag:s19], $0x80  }
0x25: {  	s1 =	simm.s32 @p0 $0x0;
	s5 =	simm.s32 @p0 $0x200;
	[sflag:s19] =	ssyncset.done $0x0  }
0x26: {  	s6 =	simm.s32 @p0 $0x1;
	s0 =	simm.s32 @p0 $0x80;
	[sflag:s19] =	ssyncadd.s32 $0xFFFFFF80  }
0x27: {  	[tilespmem:s5], [sflag:$0x2] =	stream.indirect.gather @p0 [hbm4b:s3+s0], $0x80, s1, s0, $0xb8;
	[tilespmem:$0x11680] =	vst v63  }
0x28: {  	_ =	swait.ge @p0 [sflag:s6], $0x80  }
0x29: {  	[sflag:s6] =	ssyncset.done @p0 $0x0  }
0x2a: {  	s1 =	simm.s32 @!p0 $0x3;
	[sflag:s6] =	ssyncadd.s32 @p0 $0xFFFFFF80  }
0x2b: {  	_ =	swait.ge @!p0 [sflag:s1], $0x4000  }
0x2c: {  	s13 =	simm.s32 @!p0 $0x80;
	s28 =	simm.s32 @!p0 $0x0;
	[sflag:s1] =	ssyncset.done @!p0 $0x0  }
0x2d: {  	s31 =	simm.s32 @!p0 $0x1;
	s5 =	simm.s32 @!p0 $0x200;
	[sflag:s1] =	ssyncadd.s32 @!p0 $0xFFFFC000  }
0x2e: {  	[tilespmem:s5], [sflag:$0x2] =	stream.indirect.gather @!p0 [hbm4b:s3+s13], $0x80, s28, s13, $0xb8;
	[tilespmem:$0x11680] =	vst v63  }
0x2f: {  	_ =	swait.ge @!p0 [sflag:s31], $0x80  }
0x30: {  	[sflag:s31] =	ssyncset.done @!p0 $0x0  }
0x31: {  	[sflag:s31] =	ssyncadd.s32 @!p0 $0xFFFFFF80  }
0x32: {  	_ =	swait.ge @!p0 [sflag:s1], $0x4000  }
0x33: {  	[sflag:s1] =	ssyncset.done @!p0 $0x0  }
0x34: {  	[sflag:s1] =	ssyncadd.s32 @!p0 $0xFFFFC000  }
0x35: {  	[tilespmem:s20], [sflag:$0x2] =	stream.indirect.gather [hbm4b:s3+s17], $0x80, s17, s17, $0xb8;
	[tilespmem:$0x11680] =	vst v63  }
0x36: {  	_ =	swait.ge [sflag:s19], $0x80  }
0x37: {  	[sflag:s19] =	ssyncset.done $0x0  }
0x38: {  	s5 =	simm.s32 @p0 $0x100;
	s28 =	simm.s32 @p0 $0x8200;
	[sflag:s19] =	ssyncadd.s32 $0xFFFFFF80  }
0x39: {  	[tilespmem:s28], [sflag:$0x2] =	stream.indirect.gather @p0 [hbm4b:s3+s0], $0x80, s5, s0, $0xb8;
	[tilespmem:$0x11680] =	vst v63  }
0x3a: {  	_ =	swait.ge @p0 [sflag:s6], $0x80  }
0x3b: {  	[sflag:s6] =	ssyncset.done @p0 $0x0  }
0x3c: {  	[sflag:s6] =	ssyncadd.s32 @p0 $0xFFFFFF80  }
0x3d: {  	_ =	swait.ge @!p0 [sflag:s1], $0x4000  }
0x3e: {  	[sflag:s1] =	ssyncset.done @!p0 $0x0  }
0x3f: {  	s0 =	simm.s32 @!p0 $0x100;
	s5 =	simm.s32 @!p0 $0x8200;
	[sflag:s1] =	ssyncadd.s32 @!p0 $0xFFFFC000  }
0x40: {  	[tilespmem:s5], [sflag:$0x2] =	stream.indirect.gather @!p0 [hbm4b:s3+s13], $0x80, s0, s13, $0xb8;
	[tilespmem:$0x11680] =	vst v63  }
0x41: {  	_ =	swait.ge @!p0 [sflag:s31], $0x80  }
0x42: {  	[sflag:s31] =	ssyncset.done @!p0 $0x0  }
0x43: {  	[sflag:s31] =	ssyncadd.s32 @!p0 $0xFFFFFF80  }
0x44: {  	_ =	swait.ge @!p0 [sflag:s1], $0x4000  }
0x45: {  	[sflag:s1] =	ssyncset.done @!p0 $0x0  }
0x46: {  	[sflag:s1] =	ssyncadd.s32 @!p0 $0xFFFFC000  }
0x47: {  	[tilespmem:s21], [sflag:$0x2] =	stream.indirect.gather [hbm4b:s3+s17], $0x80, s18, s17, $0xb8;
	[tilespmem:$0x11680] =	vst v63  }
0x48: {  	_ =	swait.ge [sflag:s22], $0x4000  }
0x49: {  	s10 =	rddreg [dreg:$0x4];
	[sflag:s22] =	ssyncset.done $0x0  }
0x4a: {  	[sflag:s22] =	ssyncadd.s32 $0xFFFFC000;
	s11 =	sadd.s32 $0x0, s10  }
0x4b: {  	[hbm4b:s11+s2] =	stream.linear.scatter [tilespmem:s23], [sflag:$0x3], $0x4000, $0x38;
	[tilespmem:$0x11680] =	vst v63  }
0x4c: {  	_ =	swait.ge [sflag:s22], $0x4000  }
0x4d: {  	[sflag:s22] =	ssyncset.done $0x0  }
0x4e: {  	s0 =	sadd.s32 $0x800, s11;
	[sflag:s22] =	ssyncadd.s32 $0xFFFFC000  }
0x4f: {  	[hbm4b:s0+s2] =	stream.linear.scatter [tilespmem:s20], [sflag:$0x3], $0x4000, $0x38;
	[tilespmem:$0x11680] =	vst v63  }
0x50: {  	_ =	swait.ge [sflag:s22], $0x4000  }
0x51: {  	s28 =	sadd.s32 $0x40, s14;
	s31 =	simm.s32 $0x2000;
	[sflag:s22] =	ssyncset.done $0x0  }
0x52: {  	s13 =	sadd.s32 $0x1000, s11;
	s12 =	rddreg [dreg:$0x5];
	[sflag:s22] =	ssyncadd.s32 $0xFFFFC000  }
0x53: {  	[hbm4b:s13+s2] =	stream.linear.scatter [tilespmem:s12], [sflag:$0x3], $0x4000, $0x38;
	[tilespmem:$0x11680] =	vst v63  }
0x54: {  	s1 =	sadd.s32 $0x40, s15;
	s6 =	sadd.s32 $0x1800, s11;
	_ =	swait.ge [sflag:s22], $0x4000  }
0x55: {  	s0 =	sadd.s32 $0x40, s16;
	s13 =	smov.u32 s4;
	[sflag:s22] =	ssyncset.done $0x0  }
.LBB2_2:
0x56: {  	[sflag:s22] =	ssyncadd.s32 $0xFFFFC000  }
0x57: {  	[hbm4b:s6+s2] =	stream.linear.scatter [tilespmem:s21], [sflag:$0x3], $0x4000, $0x38;
	[tilespmem:$0x11680] =	vst v63  }
0x58: {  	s13 =	sadd.s32 $0x40, s13  }
0x59: {  	[tilespmem:s2], [sflag:$0x1] =	stream.linear.gather [hbm4b:s13+s2], $0x80, $0x38;
	[tilespmem:$0x11680] =	vst v63  }
0x5a: {  	_ = 	snop  }
0x5b: {  	[tilespmem:s17], [sflag:$0x1] =	stream.linear.gather [hbm4b:s0+s2], $0x80, $0x38;
	[tilespmem:$0x11680] =	vst v63  }
0x5c: {  	s9 =	rddreg [dreg:$0x3]  }
0x5d: {  	[tilespmem:s9], [sflag:$0x1] =	stream.linear.gather [hbm4b:s1+s2], $0x80, $0x38;
	[tilespmem:$0x11680] =	vst v63  }
0x5e: {  	s5 =	smov.u32 s31  }
0x5f: {  	[tilespmem:s18], [sflag:$0x1] =	stream.linear.gather [hbm4b:s28+s2], $0x80, $0x38;
	[tilespmem:$0x11680] =	vst v63  }
0x60: {  	p1 =	seq.s32 s5, $0x0;
	_ =	swait.ge [sflag:s19], $0x80  }
0x61: {  	s7 =	simm.s32 @p1 $0x80;
	s6 =	simm.s32 @p1 $0x0;
	[sflag:s19] =	ssyncset.done $0x0  }
0x62: {  	s8 =	simm.s32 @p1 $0x200;
	s9 =	simm.s32 @p1 $0x1;
	[sflag:s19] =	ssyncadd.s32 $0xFFFFFF80  }
0x63: {  	[tilespmem:s8], [sflag:$0x2] =	stream.indirect.gather @p1 [hbm4b:s3+s7], $0x80, s6, s7, $0xb8;
	[tilespmem:$0x11680] =	vst v63  }
0x64: {  	_ =	swait.ge @p1 [sflag:s9], $0x80  }
0x65: {  	[sflag:s9] =	ssyncset.done @p1 $0x0  }
0x66: {  	s6 =	simm.s32 @!p1 $0x3;
	[sflag:s9] =	ssyncadd.s32 @p1 $0xFFFFFF80  }
0x67: {  	_ =	swait.ge @!p1 [sflag:s6], $0x4000  }
0x68: {  	s10 =	simm.s32 @!p1 $0x80;
	s11 =	simm.s32 @!p1 $0x0;
	[sflag:s6] =	ssyncset.done @!p1 $0x0  }
0x69: {  	s12 =	simm.s32 @!p1 $0x1;
	s8 =	simm.s32 @!p1 $0x200;
	[sflag:s6] =	ssyncadd.s32 @!p1 $0xFFFFC000  }
0x6a: {  	[tilespmem:s8], [sflag:$0x2] =	stream.indirect.gather @!p1 [hbm4b:s3+s10], $0x80, s11, s10, $0xb8;
	[tilespmem:$0x11680] =	vst v63  }
0x6b: {  	_ =	swait.ge @!p1 [sflag:s12], $0x80  }
0x6c: {  	[sflag:s12] =	ssyncset.done @!p1 $0x0  }
0x6d: {  	[sflag:s12] =	ssyncadd.s32 @!p1 $0xFFFFFF80  }
0x6e: {  	_ =	swait.ge @!p1 [sflag:s6], $0x4000  }
0x6f: {  	[sflag:s6] =	ssyncset.done @!p1 $0x0  }
0x70: {  	[sflag:s6] =	ssyncadd.s32 @!p1 $0xFFFFC000  }
0x71: {  	[tilespmem:s20], [sflag:$0x2] =	stream.indirect.gather [hbm4b:s3+s17], $0x80, s17, s17, $0xb8;
	[tilespmem:$0x11680] =	vst v63  }
0x72: {  	_ =	swait.ge [sflag:s19], $0x80  }
0x73: {  	[sflag:s19] =	ssyncset.done $0x0  }
0x74: {  	s8 =	simm.s32 @p1 $0x100;
	s11 =	simm.s32 @p1 $0x8200;
	[sflag:s19] =	ssyncadd.s32 $0xFFFFFF80  }
0x75: {  	[tilespmem:s11], [sflag:$0x2] =	stream.indirect.gather @p1 [hbm4b:s3+s7], $0x80, s8, s7, $0xb8;
	[tilespmem:$0x11680] =	vst v63  }
0x76: {  	_ =	swait.ge @p1 [sflag:s9], $0x80  }
0x77: {  	[sflag:s9] =	ssyncset.done @p1 $0x0  }
0x78: {  	[sflag:s9] =	ssyncadd.s32 @p1 $0xFFFFFF80  }
0x79: {  	_ =	swait.ge @!p1 [sflag:s6], $0x4000  }
0x7a: {  	[sflag:s6] =	ssyncset.done @!p1 $0x0  }
0x7b: {  	s7 =	simm.s32 @!p1 $0x100;
	s8 =	simm.s32 @!p1 $0x8200;
	[sflag:s6] =	ssyncadd.s32 @!p1 $0xFFFFC000  }
0x7c: {  	[tilespmem:s8], [sflag:$0x2] =	stream.indirect.gather @!p1 [hbm4b:s3+s10], $0x80, s7, s10, $0xb8;
	[tilespmem:$0x11680] =	vst v63  }
0x7d: {  	_ =	swait.ge @!p1 [sflag:s12], $0x80  }
0x7e: {  	[sflag:s12] =	ssyncset.done @!p1 $0x0  }
0x7f: {  	[sflag:s12] =	ssyncadd.s32 @!p1 $0xFFFFFF80  }
0x80: {  	_ =	swait.ge @!p1 [sflag:s6], $0x4000  }
0x81: {  	[sflag:s6] =	ssyncset.done @!p1 $0x0  }
0x82: {  	[sflag:s6] =	ssyncadd.s32 @!p1 $0xFFFFC000  }
0x83: {  	[tilespmem:s21], [sflag:$0x2] =	stream.indirect.gather [hbm4b:s3+s17], $0x80, s18, s17, $0xb8;
	[tilespmem:$0x11680] =	vst v63  }
0x84: {  	_ =	swait.ge [sflag:s22], $0x4000  }
0x85: {  	s10 =	rddreg [dreg:$0x4];
	[sflag:s22] =	ssyncset.done $0x0  }
0x86: {  	[sflag:s22] =	ssyncadd.s32 $0xFFFFC000;
	s5 =	sadd.s32 s5, s10  }
0x87: {  	[hbm4b:s5+s2] =	stream.linear.scatter [tilespmem:s23], [sflag:$0x3], $0x4000, $0x38;
	[tilespmem:$0x11680] =	vst v63  }
0x88: {  	_ =	swait.ge [sflag:s22], $0x4000  }
0x89: {  	[sflag:s22] =	ssyncset.done $0x0  }
0x8a: {  	s31 =	sadd.s32 $0x2000, s31;
	s6 =	sadd.s32 $0x800, s5;
	[sflag:s22] =	ssyncadd.s32 $0xFFFFC000  }
0x8b: {  	[hbm4b:s6+s2] =	stream.linear.scatter [tilespmem:s20], [sflag:$0x3], $0x4000, $0x38;
	[tilespmem:$0x11680] =	vst v63  }
0x8c: {  	p0 =	sne.s32 s31, $0x60000;
	_ =	swait.ge [sflag:s22], $0x4000  }
.Ltmp0:
0x8d: {  	[sflag:s22] =	ssyncset.done $0x0;
	(pc) =	sbr.rel @p0 .LBB2_2-.Ltmp0, $4  }
0x8e: {  	s12 =	sadd.s32 $0x1000, s5;
	s11 =	rddreg [dreg:$0x5];
	[sflag:s22] =	ssyncadd.s32 $0xFFFFC000  }
0x8f: {  	[hbm4b:s12+s2] =	stream.linear.scatter [tilespmem:s11], [sflag:$0x3], $0x4000, $0x38;
	[tilespmem:$0x11680] =	vst v63  }
0x90: {  	s0 =	sadd.s32 $0x40, s0;
	s1 =	sadd.s32 $0x40, s1;
	_ =	swait.ge [sflag:s22], $0x4000  }
0x91: {  	s28 =	sadd.s32 $0x40, s28;
	s6 =	sadd.s32 $0x1800, s5;
	[sflag:s22] =	ssyncset.done $0x0  }
0x92: {  	[sflag:s22] =	ssyncadd.s32 $0xFFFFC000  }
0x93: {  	[hbm4b:s6+s2] =	stream.linear.scatter [tilespmem:s21], [sflag:$0x3], $0x4000, $0x38;
	[tilespmem:$0x11680] =	vst v63  }
0x94: {  	_ =	swait.ge [sflag:s24], $0x4000  }
0x95: {  	[sflag:s24] =	ssyncset.done $0x0  }
0x96: {  	[sflag:s24] =	ssyncadd.s32 $0xFFFFC000  }
0x97: {  	_ =	swait.ge [sflag:s24], $0x4000  }
0x98: {  	[sflag:s24] =	ssyncset.done $0x0  }
0x99: {  	[sflag:s24] =	ssyncadd.s32 $0xFFFFC000  }
0x9a: {  	_ =	swait.ge [sflag:s24], $0x4000  }
0x9b: {  	[sflag:s24] =	ssyncset.done $0x0  }
0x9c: {  	[sflag:s24] =	ssyncadd.s32 $0xFFFFC000  }
0x9d: {  	_ =	swait.ge [sflag:s24], $0x4000  }
0x9e: {  	[sflag:s24] =	ssyncset.done $0x0  }
0x9f: {  	s0 =	rddreg [dreg:$0x6];
	[sflag:s24] =	ssyncadd.s32 $0xFFFFC000  }
0xa0: {  	[tilespmem:s2], [sflag:$0x4] =	stream.linear.gather [hbm4b:s0+s2], $0x80, $0x38;
	[tilespmem:$0x11680] =	vst v63  }
0xa1: {  	_ =	swait.ge [sflag:s25], $0x80  }
0xa2: {  	[sflag:s25] =	ssyncset.done $0x0  }
0xa3: {  	[sflag:s25] =	ssyncadd.s32 $0xFFFFFF80  }
0xa4: {  	[tilespmem:s23], [sflag:$0x2] =	stream.indirect.gather [hbm4b:s3+s17], $0x80, s2, s17, $0xb8;
	[tilespmem:$0x11680] =	vst v63  }
0xa5: {  	_ =	swait.ge [sflag:s22], $0x4000  }
0xa6: {  	[sflag:s22] =	ssyncset.done $0x0  }
0xa7: {  	s7 =	rddreg [dreg:$0x7];
	[sflag:s22] =	ssyncadd.s32 $0xFFFFC000  }
0xa8: {  	[hbm4b:s7+s2] =	stream.linear.scatter [tilespmem:s23], [sflag:$0x4], $0x4000, $0x38;
	[tilespmem:$0x11680] =	vst v63  }
0xa9: {  	_ =	swait.ge [sflag:s25], $0x4000  }
0xaa: {  	[sflag:s25] =	ssyncset.done $0x0  }
0xab: {  	s8 =	rddreg [dreg:$0x8];
	[sflag:s25] =	ssyncadd.s32 $0xFFFFC000  }
0xac: {  	[tilespmem:s2], [sflag:$0x4] =	stream.linear.gather [hbm4b:s8+s2], $0x80, $0x38;
	[tilespmem:$0x11680] =	vst v63  }
0xad: {  	_ =	swait.ge [sflag:s25], $0x80  }
0xae: {  	[sflag:s25] =	ssyncset.done $0x0  }
0xaf: {  	[sflag:s25] =	ssyncadd.s32 $0xFFFFFF80  }
0xb0: {  	[tilespmem:s23], [sflag:$0x2] =	stream.indirect.gather [hbm4b:s3+s17], $0x80, s2, s17, $0xb8;
	[tilespmem:$0x11680] =	vst v63  }
0xb1: {  	_ =	swait.ge [sflag:s22], $0x4000  }
0xb2: {  	[sflag:s22] =	ssyncset.done $0x0  }
0xb3: {  	s9 =	rddreg [dreg:$0x9];
	[sflag:s22] =	ssyncadd.s32 $0xFFFFC000  }
0xb4: {  	[hbm4b:s9+s2] =	stream.linear.scatter [tilespmem:s23], [sflag:$0x4], $0x4000, $0x38;
	[tilespmem:$0x11680] =	vst v63  }
0xb5: {  	_ =	swait.ge [sflag:s25], $0x4000  }
0xb6: {  	[sflag:s25] =	ssyncset.done $0x0  }
0xb7: {  	s10 =	rddreg [dreg:$0xa];
	[sflag:s25] =	ssyncadd.s32 $0xFFFFC000  }
0xb8: {  	[tilespmem:s2], [sflag:$0x4] =	stream.linear.gather [hbm4b:s10+s2], $0x80, $0x38;
	[tilespmem:$0x11680] =	vst v63  }
0xb9: {  	_ =	swait.ge [sflag:s25], $0x80  }
0xba: {  	[sflag:s25] =	ssyncset.done $0x0  }
0xbb: {  	[sflag:s25] =	ssyncadd.s32 $0xFFFFFF80  }
0xbc: {  	[tilespmem:s23], [sflag:$0x2] =	stream.indirect.gather [hbm4b:s3+s17], $0x80, s2, s17, $0xb8;
	[tilespmem:$0x11680] =	vst v63  }
0xbd: {  	_ =	swait.ge [sflag:s22], $0x4000  }
0xbe: {  	[sflag:s22] =	ssyncset.done $0x0  }
0xbf: {  	s11 =	rddreg [dreg:$0xb];
	[sflag:s22] =	ssyncadd.s32 $0xFFFFC000  }
0xc0: {  	[hbm4b:s11+s2] =	stream.linear.scatter [tilespmem:s23], [sflag:$0x4], $0x4000, $0x38;
	[tilespmem:$0x11680] =	vst v63  }
0xc1: {  	_ =	swait.ge [sflag:s25], $0x4000  }
0xc2: {  	[sflag:s25] =	ssyncset.done $0x0  }
0xc3: {  	s12 =	rddreg [dreg:$0xc];
	[sflag:s25] =	ssyncadd.s32 $0xFFFFC000  }
0xc4: {  	[tilespmem:s26], [sflag:$0x4] =	stream.linear.gather [hbm4b:s12+s2], $0x28, $0x38;
	[tilespmem:$0x11680] =	vst v63  }
0xc5: {  	_ =	swait.ge [sflag:s25], $0x28  }
0xc6: {  	[sflag:s25] =	ssyncset.done $0x0  }
0xc7: {  	s13 =	simm.s32 $0x28;
	[sflag:s25] =	ssyncadd.s32 $0xFFFFFFD8  }
0xc8: {  	[tilespmem:s29], [sflag:$0x2] =	stream.indirect.gather [hbm4b:s3+s13], $0x80, s26, s13, $0xb8;
	[tilespmem:$0x11680] =	vst v63  }
0xc9: {  	_ =	swait.ge [sflag:s22], $0x1400  }
0xca: {  	[sflag:s22] =	ssyncset.done $0x0  }
0xcb: {  	s28 =	rddreg [dreg:$0xd];
	[sflag:s22] =	ssyncadd.s32 $0xFFFFEC00  }
0xcc: {  	[hbm4b:s28+s2] =	stream.linear.scatter [tilespmem:s29], [sflag:$0x4], $0x1400, $0x38;
	[tilespmem:$0x11680] =	vst v63  }
0xcd: {  	_ =	swait.ge [sflag:s25], $0x1400  }
0xce: {  	s30 =	sadd.s32 $0x1, s30;
	s31 =	rddreg [dreg:$0xe]  }
0xcf: {  	p0 =	sne.s32 s30, s31  }
.Ltmp1:
0xd0: {  	_ = 	snop;
	(pc) =	sbr.rel @p0 .LBB2_1-.Ltmp1, $3  }
0xd1: {  	_ =	sdelay $0x1  }
0xd2: {  	[sflag:s25] =	ssyncset.done $0x0  }
0xd3: {  	[sflag:s25] =	ssyncadd.s32 $0xFFFFEC00  }
0xd4: {  	_ =	sfence.sel $0x180000  }
0xd5: {  	[bflag:$0x0] =	sbarrier.arrive $0xFFFF  }
0xd6: {  	_ =	strace $0x9000004A  }
0xd7: {  	s0 =	stileid.u32;
	[bflag:$0x2] =	sbarrier.arrive $0xFFFF  }
0xd8: {  	p0 =	sne.s32 s0, $0x0;
	s0 =	rddreg [dreg:$0x2]  }
0xd9: {  	s0 =	sadd.s32 @!p0 $0x100000, s0  }
0xda: {  	[sflag:s0] =	ssyncadd.tile.s32 @!p0 $0x1;
	_ =	shalt  }
.Lfunc_end2:
_tile_overlayer_lowered:
.L_overlay_start_2:
0xdb: {  	(tag) =	ssettag $0x2  }
0xdc: {  	s0 =	rddreg [dreg:$0x0];
	s2 =	stileid.u32  }
0xdd: {  	s1 =	rddreg [dreg:$0x1];
	p0 =	sne.s32 s2, $0x0  }
0xde: {  	s3 =	rddreg [dreg:$0x2];
	[bflag:$0x3] =	sbarrier.arrive $0xFFFF;
	s2 =	simm.s32 @!p0 $0x1C04  }
0xdf: {  	[timem:s3], [sflag:s2] =	dma.local @!p0 [hbm:s0], s1  }
0xe0: {  	s0 =	simm.s32 @!p0 $0x4  }
0xe1: {  	_ =	swait.ge @!p0 [sflag:s0], s1  }
0xe2: {  	s1 =	ssub.s32 @!p0 $0x0, s1;
	[sflag:s0] =	ssyncset.done @!p0 $0x0  }
0xe3: {  	[sflag:s0] =	ssyncadd.s32 @!p0 s1  }
0xe4: {  	[bflag:$0x3] =	sbarrier.arrive $0xFFFF  }
0xe5: {  	_ =	shalt  }

// kernel: sparse-core-data-format-call.cloned.1.call-start
scs
called_computation_lowered:
.L_overlay_start_0:
0x0: {  	s1 =	sld [smem:$0x3FD9]  }
0x1: {  	s2 =	sld [smem:$0x3FFE];
	_ =	sdelay $0x1  }
0x2: {  	s3 =	srdreg.scid  }
0x3: {  	s0 =	sand.u32 $0x1, s3  }
0x4: {  	s17 =	sshll.u32 s0, $0xA;
	s1 =	sadd.s32 s2, s1  }
0x5: {  	s1 =	sadd.s32 s1, s17  }
0x6: {  	[smem:$0x3FB7] =	sst s1  }
0x7: {  	_ = 	snop  }
0x8: {  	(tm) =	ssettm $0x1  }
0x9: {  	s18 =	sld [smem:$0x3FFB];
	_ =	sdelay $0x3  }
0xa: {  	_ =	strace s18  }
0xb: {  	s1 =	sld [smem:$0x3FFC];
	_ =	sdelay $0x3  }
0xc: {  	_ =	strace s1  }
0xd: {  	s1 =	sld [smem:$0x3FFD];
	_ =	sdelay $0x3  }
0xe: {  	_ =	strace s1  }
0xf: {  	_ =	strace $0x8FFFFFFF  }
0x10: {  	s19 =	sld [smem:$0x3FDB];
	_ =	sdelay $0x1  }
0x11: {  	s20 =	simm.s32 $_scs_section_size  }
0x12: {  	s4 =	simm.s32 $_size__tile_overlayer_lowered;
	s5 =	simm.s32 $_tile_overlayer_lowered  }
0x13: {  	s23 =	simm.s32 $0x1BFF;
	s22 =	sshll.u32 s5, $0x1;
	s1 =	sadd.s32 s20, s19  }
0x14: {  	s6 =	simm.s32 $0x0;
	s21 =	sshll.u32 s4, $0x1;
	s4 =	sadd.s32 s22, s1  }
0x15: {  	[timem:s6], [sflag:s23] =	dma.local [hbm:s4], s21  }
0x16: {  	_ =	swait.ge [sflag:s23], s21  }
0x17: {  	s2 =	ssub.s32 $0x0, s21;
	[sflag:s23] =	ssyncset.done $0x0  }
0x18: {  	[sflag:s23] =	ssyncadd.s32 s2;
	_ =	sdelay $0x1  }
0x19: {  	s24 =	simm.s32 $0x1B8B  }
0x1a: {  	_ =	swait.ge [sflag:s24], $0x1  }
0x1b: {  	[sflag:s24] =	ssyncset.done $0x0  }
0x1c: {  	s26 =	simm.s32 $0x1B8E;
	s25 =	sld [smem:$0x3FFE];
	[sflag:s24] =	ssyncadd.s32 $0xFFFFFFFF  }
0x1d: {  	s27 =	simm.s32 $execute0_lowered;
	[smem:$0x3FD2] =	sst s26  }
0x1e: {  	s4 =	sshll.u32 s27, $0x1;
	_ =	strace $0x80000046;
	[dreg:$0x1] =	wrdreg $0xFFFFFFFF  }
0x1f: {  	s28 =	simm.s32 $_size_execute0_lowered;
	s1 =	sadd.s32 s1, s4;
	[dreg:$0x0] =	wrdreg $0x0  }
0x20: {  	s4 =	sshll.u32 s28, $0x1;
	[dreg:$0x2] =	wrdreg s1  }
0x21: {  	[dreg:$0x3] =	wrdreg s4  }
0x22: {  	[dreg:$0x4] =	wrdreg $0xC0  }
0x23: {  	_ =	task [dreg:s6], $0x5FFFF  }
0x24: {  	[dreg:$0x1] =	wrdreg $0xFFFFFFFF  }
0x25: {  	[dreg:$0x0] =	wrdreg $0x60  }
0x26: {  	[dreg:$0x2] =	wrdreg s25  }
0x27: {  	[dreg:$0x3] =	wrdreg $0x9  }
0x28: {  	_ =	task.clear_ibuf [dreg:s6], $0x4FFFF;
	_ =	strace $0x90000046  }
0x29: {  	s29 =	simm.s32 $0x9;
	_ =	strace $0x80000048  }
0x2a: {  	_ =	swait.ge [sflag:s29], $0x1  }
0x2b: {  	[sflag:s29] =	ssyncadd.s32 $0xFFFFFFFF  }
0x2c: {  	_ =	strace $0x90000048  }
0x2d: {  	_ =	sfence  }
0x2e: {  	s30 =	sld [smem:$0x0];
	_ =	sdelay $0x2  }
0x2f: {  	s31 =	sshll.u32 s3, $0xD;
	s3 =	sshrl.u32 s3, $0x2  }
0x30: {  	s2 =	sand.u32 $0x4000, s31;
	s1 =	sadd.s32 s3, s30  }
0x31: {  	s0 =	sor.u32 s2, s0;
	s1 =	sshll.u32 s1, $0x11  }
0x32: {  	s0 =	sor.u32 s1, s0  }
0x33: {  	s0 =	sadd.s32 $0x8F2B, s0  }
0x34: {  	[sflag:s0] =	ssyncadd.remote.s32 $0x1  }
0x35: {  	_ =	sfence.sel $0xFFFF  }
0x36: {  	[dreg:$0x0] =	wrdreg $0xFFFFFFFF;
	(pc) =	sbr.abs _section_cstart, $3  }
0x37: {  	[dreg:$0x1] =	wrdreg $0xFFFFFFFF  }
0x38: {  	_ =	task.clear_ibuf [dreg:s6], $0x2FFFF;
	_ =	strace $0x9FFFFFFF  }
0x39: {  	(tm) =	ssettm $0x7FFFFFFF  }
tec
execute0_lowered:
.L_overlay_start_1:
0x0: {  	(tag) =	ssettag $0x1  }
0x1: {  	s0 =	srdreg.scid;
	s6 =	rddreg [dreg:$0x0]  }
0x2: {  	s1 =	stileid.u32;
	s4 =	simm.s32 $0x1;
	s7 =	simm.s32 $0x2  }
0x3: {  	s14 =	simm.s32 $0x0;
	s8 =	simm.s32 $0x20;
	s0 =	sshll.u32 s0, $0x4  }
0x4: {  	s9 =	simm.s32 $0x80;
	s10 =	simm.s32 $0x0;
	s2 =	sand.u32 $0x10, s0  }
.Ltmp0:
0x5: {  	s11 =	simm.s32 $0x0;
	s2 =	sor.u32 s1, s2;
	(pc) =	sbr.rel .LBB1_1-.Ltmp0, $4  }
0x6: {  	s13 =	simm.s32 $0x0;
	s3 =	sadd.s32 $0x3000, s6;
	s2 =	sshll.u32 s2, $0x2  }
0x7: {  	s0 =	rddreg [dreg:$0x1];
	_ =	strace $0x80000047;
	s5 =	ssub.s32 $0x1868, s2  }
0x8: {  	s6 =	sadd.s32 $0xC38000, s6;
	[sflag:s4] =	ssyncpa.u1 $0x0;
	s5 =	sshrl.u32 s5, $0x7  }
0x9: {  	[sflag:s7] =	ssyncpa.u1 $0x0;
	s12 =	smov.u32 s2;
	s7 =	sadd.s32 $0x2, s5  }
.LBB1_9:
0xa: {  	s16 =	sshll.u32 s13, $0xE  }
0xb: {  	s17 =	sshll.u32 s11, $0xB;
	s16 =	sand.u32 $0x4000, s16  }
0xc: {  	s17 =	sadd.s32 s6, s17;
	s16 =	sor.u32 $0x8000, s16  }
0xd: {  	[hbm4b:s17+s8] =	stream.strided.scatter [tilespmem:s16], [sflag:$0x2], s15, s9, s8, $0x38;
	[tilespmem:$0x10000] =	vst v63  }
.LBB1_10:
0xe: {  	p0 =	slt.u32 s13, $0x2  }
0xf: {  	p1 =	sgt.s32 @!p0 s14, $0x1866  }
0x10: {  	s15 =	smov.u32 s14;
	s16 =	sshra.s32 @!p0 s14, $0x1F;
	p1 =	por !p1, p0  }
0x11: {  	s14 =	sand.u32 @!p0 s16, s14;
	s15 =	simm.s32 @p1 $0x1866  }
0x12: {  	s14 =	ssub.s32 @!p0 s15, s14  }
0x13: {  	s14 =	sadd.s32 @!p0 $0xFFFFE79A, s14  }
0x14: {  	s15 =	sshll.u32 @!p0 s14, $0xE  }
0x15: {  	p1 =	sgt.s32 @!p0 s14, $0x3;
	s14 =	ssub.s32 @!p0 $0x10000, s15  }
0x16: {  	s16 =	sadd.s32 $0x80, s12;
	p1 =	por !p1, p0;
	s14 =	sshrl.u32 @!p0 s14, $0x2  }
0x17: {  	s14 =	simm.s32 @!p1 $0x0;
	p1 =	sgt.s32 s16, $0x1869  }
0x18: {  	s16 =	smov.u32 @p1 s2;
	p1 =	sne.s32 s13, s7  }
.Ltmp1:
0x19: {  	_ = 	snop;
	(pc) =	sbr.rel @!p1 .LBB1_11-.Ltmp1, $4  }
0x1a: {  	s15 =	simm.s32 @!p0 $0x2  }
0x1b: {  	s10 =	sadd.s32 $0x4000, s10;
	_ =	swait.ge @!p0 [sflag:s15], s14;
	s17 =	ssub.s32 @!p0 $0x0, s14  }
0x1c: {  	s14 =	smov.u32 s11;
	s13 =	sadd.s32 $0x1, s13;
	[sflag:s15] =	ssyncset.done @!p0 $0x0  }
0x1d: {  	s11 =	smov.u32 s12;
	s12 =	smov.u32 s16;
	[sflag:s15] =	ssyncadd.s32 @!p0 s17  }
.LBB1_1:
0x1e: {  	p0 =	sgt.u32 s13, s5  }
0x1f: {  	p1 =	sgt.s32 @!p0 s12, $0x1866  }
0x20: {  	s15 =	smov.u32 s12;
	s16 =	sshra.s32 @!p0 s12, $0x1F;
	p1 =	por !p1, p0  }
0x21: {  	s16 =	sand.u32 @!p0 s16, s12;
	s15 =	simm.s32 @p1 $0x1866  }
0x22: {  	s15 =	ssub.s32 @!p0 s15, s16  }
0x23: {  	s17 =	sxor.u32 @!p0 $0xFFFFFFFF, s13;
	s15 =	sadd.s32 @!p0 $0xFFFFE79A, s15  }
0x24: {  	s18 =	simm.s32 @!p0 $0x20;
	s19 =	simm.s32 @!p0 $0x80;
	s16 =	sshll.u32 @!p0 s15, $0xE  }
0x25: {  	p1 =	sgt.s32 @!p0 s15, $0x3;
	s15 =	ssub.s32 @!p0 $0x10000, s16;
	s16 =	sshll.u32 @!p0 s17, $0xE  }
0x26: {  	p1 =	por !p1, p0;
	s17 =	sshll.u32 @!p0 s12, $0xB;
	s15 =	sshrl.u32 @!p0 s15, $0x2  }
0x27: {  	s16 =	sand.u32 @!p0 $0x4000, s16;
	s17 =	sadd.s32 @!p0 s3, s17;
	s15 =	simm.s32 @!p1 $0x0  }
0x28: {  	[tilespmem:s16], [sflag:$0x1] =	stream.strided.gather @!p0 [hbm4b:s17+s18], s15, s19, s18, $0x38;
	[tilespmem:$0x10000] =	vst v63  }
0x29: {  	p0 =	seq.s32 s13, $0x0  }
0x2a: {  	p1 =	sge.u32 @!p0 s13, s7  }
0x2b: {  	p0 =	por p0, p1  }
.Ltmp2:
0x2c: {  	_ = 	snop;
	(pc) =	sbr.rel @p0 .LBB1_10-.Ltmp2, $1  }
0x2d: {  	_ =	sdelay $0x3  }
0x2e: {  	p0 =	sgt.s32 s11, $0x1866;
	s15 =	smov.u32 s11;
	s16 =	sshra.s32 s11, $0x1F  }
0x2f: {  	s15 =	simm.s32 @!p0 $0x1866;
	s16 =	sand.u32 s16, s11  }
0x30: {  	s15 =	ssub.s32 s15, s16  }
0x31: {  	s17 =	sadd.s32 $0x4, s11;
	s15 =	sadd.s32 $0xFFFFE79A, s15  }
0x32: {  	p1 =	slt.s32 s17, $0x186A;
	s30 =	sshll.u32 s15, $0xE  }
0x33: {  	s17 =	simm.s32 @!p1 $0x186A;
	s16 =	ssub.s32 $0x10000, s30  }
0x34: {  	p0 =	sgt.s32 s15, $0x3;
	s15 =	sshrl.u32 s16, $0x2;
	s16 =	ssub.s32 s17, s11  }
0x35: {  	s15 =	simm.s32 @p0 $0x0;
	p0 =	slt.s32 s16, $0x1  }
.Ltmp3:
0x36: {  	_ = 	snop;
	(pc) =	sbr.rel @p0 .LBB1_9-.Ltmp3, $4  }
0x37: {  	_ = 	snop  }
0x38: {  	_ =	swait.ge [sflag:s4], s15  }
0x39: {  	s31 =	ssub.s32 $0x0, s15;
	[sflag:s4] =	ssyncset.done $0x0  }
0x3a: {  	[sflag:s4] =	ssyncadd.s32 s31  }
0x3b: {  	s17 =	sand.u32 $0x4000, s10  }
0x3c: {  	s19 =	simm.s32 $0x0;
	s18 =	sor.u32 $0x8000, s17  }
.LBB1_4:
0x3d: {  	s20 =	smov.u32 s17;
	s21 =	smov.u32 s18;
	s22 =	simm.s32 $0x0  }
.LBB1_5:
0x3e: {  	v0 =	vmov s20;
	_ =	sdelay $0x3  }
0x3f: {  	s23 =	simm.s32 $0x0  }
0x40: {  	v1 =	vld.idx.msk [tilespmem:v0+s23+$0x0 ss:$0x1], $0xffff;
	_ =	sdelay $0x2  }
0x41: {  	s24 =	simm.s32 $0x80;
	s23 =	smov.u32 s21  }
.LBB1_6:
0x42: {  	s25 =	sshra.s32 s24, $0x2;
	p0 =	sne.s32 s24, $0x780;
	s24 =	sadd.s32 $0x80, s24  }
.Ltmp4:
0x43: {  	[tilespmem:s23+$0x0] =	vst v1;
	v1 =	vld.idx.msk [tilespmem:v0+s25+$0x0 ss:$0x1], $0xffff;
	(pc) =	sbr.rel @p0 .LBB1_6-.Ltmp4, $2  }
0x44: {  	_ =	sdelay $0x2  }
0x45: {  	s23 =	sadd.s32 $0x100, s23  }
0x46: {  	s22 =	sadd.s32 $0x1, s22  }
0x47: {  	p0 =	sne.s32 s22, $0x8  }
.Ltmp5:
0x48: {  	_ = 	snop;
	(pc) =	sbr.rel @p0 .LBB1_5-.Ltmp5, $2  }
0x49: {  	_ =	sdelay $0x2  }
0x4a: {  	[tilespmem:s23+$0x0] =	vst v1;
	s21 =	sadd.s32 $0x20, s21;
	s20 =	sadd.s32 $0x200, s20  }
0x4b: {  	s19 =	sadd.s32 $0x1, s19  }
0x4c: {  	p0 =	sne.s32 s19, s16  }
.Ltmp6:
0x4d: {  	_ = 	snop;
	(pc) =	sbr.rel @p0 .LBB1_4-.Ltmp6, $4  }
.Ltmp7:
0x4e: {  	_ = 	snop;
	(pc) =	sbr.rel @!p0 .LBB1_9-.Ltmp7, $4  }
0x4f: {  	_ = 	snop  }
0x50: {  	_ = 	snop  }
0x51: {  	s18 =	sadd.s32 $0x1000, s18;
	s17 =	sadd.s32 $0x1000, s17  }
0x52: {  	_ = 	snop  }
.LBB1_11:
0x53: {  	_ =	sfence.sel $0x180000  }
0x54: {  	s2 =	simm.s32 $0x1;
	[bflag:$0x0] =	sbarrier.arrive $0xFFFF  }
0x55: {  	s31 =	simm.s32 $0x2;
	[sflag:s2] =	ssyncpa.u1 $0x1  }
0x56: {  	[sflag:s31] =	ssyncpa.u1 $0x1  }
0x57: {  	p0 =	sne.s32 s1, $0x0;
	_ =	strace $0x90000047  }
0x58: {  	s0 =	sadd.s32 @!p0 $0x100000, s0;
	[bflag:$0x2] =	sbarrier.arrive $0xFFFF  }
0x59: {  	[sflag:s0] =	ssyncadd.tile.s32 @!p0 $0x1;
	_ =	shalt  }
.Lfunc_end1:
_tile_overlayer_lowered:
.L_overlay_start_2:
0x5a: {  	(tag) =	ssettag $0x2  }
0x5b: {  	s0 =	rddreg [dreg:$0x0];
	s2 =	stileid.u32  }
0x5c: {  	s1 =	rddreg [dreg:$0x1];
	p0 =	sne.s32 s2, $0x0  }
0x5d: {  	s3 =	rddreg [dreg:$0x2];
	[bflag:$0x3] =	sbarrier.arrive $0xFFFF;
	s2 =	simm.s32 @!p0 $0x1C01  }
0x5e: {  	[timem:s3], [sflag:s2] =	dma.local @!p0 [hbm:s0], s1  }
0x5f: {  	s0 =	simm.s32 @!p0 $0x1  }
0x60: {  	_ =	swait.ge @!p0 [sflag:s0], s1  }
0x61: {  	s1 =	ssub.s32 @!p0 $0x0, s1;
	[sflag:s0] =	ssyncset.done @!p0 $0x0  }
0x62: {  	[sflag:s0] =	ssyncadd.s32 @!p0 s1  }
0x63: {  	[bflag:$0x3] =	sbarrier.arrive $0xFFFF  }
0x64: {  	_ =	shalt  }

</sc_bundles>
